<compile_context>
chip_gen: v7x
topology: tpu7x:2x2x1
jax: 0.10.2.dev20260603
libtpu: 0.0.44.dev20260713+nightly
codegen_flags: <defaults>
</compile_context>

<pallas_src>
import functools

import jax
import jax.numpy as jnp
from jax import lax
from jax.experimental import pallas as pl
from jax.experimental.pallas import tpu as pltpu
from jax.experimental.pallas import tpu_sc as plsc

B, NA, LD, AD = 1024, 8, 192, 64
D = LD + AD
E, TOPK, HEADS, FFN, HHID, BINS = 8, 2, 4, 1024, 512, 101
DH = D // HEADS
TD = NA * D

BLK = 16
ROWS = BLK * NA
NB = (TOPK * B) // BLK + E
P = NB * BLK

NC, NS = 2, 16
NW = NC * NS
RW = B // NW


def _routing_body(x_ref, gw_ref, pos0_ref, pos1_ref, be_ref, g_ref, nb_ref):
    logits = jnp.dot(x_ref[...], gw_ref[...],
                     preferred_element_type=jnp.float32)
    ii = lax.broadcasted_iota(jnp.int32, (B, E), 1)
    v0 = jnp.max(logits, axis=1, keepdims=True)
    i0 = jnp.min(jnp.where(logits == v0, ii, E), axis=1, keepdims=True)
    oh0 = (ii == i0)
    l2 = jnp.where(oh0, -jnp.inf, logits)
    v1 = jnp.max(l2, axis=1, keepdims=True)
    i1 = jnp.min(jnp.where(l2 == v1, ii, E), axis=1, keepdims=True)
    oh1 = (ii == i1)
    t = jnp.exp(v1 - v0)
    g0 = 1.0 / (1.0 + t)
    g_ref[...] = jnp.concatenate([g0, 1.0 - g0], axis=1)

    oh0f = oh0.astype(jnp.float32)
    oh1f = oh1.astype(jnp.float32)
    ohb = jnp.concatenate([oh0f, oh1f], axis=1).astype(jnp.bfloat16)
    ri = lax.broadcasted_iota(jnp.int32, (B, B), 0)
    ci = lax.broadcasted_iota(jnp.int32, (B, B), 1)
    tri = (ci <= ri).astype(jnp.bfloat16)
    C = jnp.dot(tri, ohb, preferred_element_type=jnp.float32)
    c_tot = C[B - 1:B, :]
    counts = c_tot[:, :E] + c_tot[:, E:]
    blocks = jnp.floor((counts + (BLK - 1)) * (1.0 / BLK))
    eye = (lax.broadcasted_iota(jnp.int32, (E, E), 0)
           == lax.broadcasted_iota(jnp.int32, (E, E), 1))
    ut = (lax.broadcasted_iota(jnp.int32, (E, E), 0)
          <= lax.broadcasted_iota(jnp.int32, (E, E), 1)).astype(jnp.float32)
    bcum = jnp.dot(blocks, ut, preferred_element_type=jnp.float32)
    bstart = bcum - blocks

    rank0 = jnp.sum(C[:, :E] * oh0f, axis=1, keepdims=True) - 1.0
    rank1 = jnp.sum((c_tot[:, :E] + C[:, E:]) * oh1f,
                    axis=1, keepdims=True) - 1.0
    s0 = jnp.sum(bstart * oh0f, axis=1, keepdims=True)
    s1 = jnp.sum(bstart * oh1f, axis=1, keepdims=True)
    pos0_ref[...] = (s0 * BLK + rank0).astype(jnp.int32)
    pos1_ref[...] = (s1 * BLK + rank1).astype(jnp.int32)

    bcum_col = lax.dot_general(eye.astype(jnp.float32), bcum,
                               (((1,), (1,)), ((), ())),
                               preferred_element_type=jnp.float32)
    bi = lax.broadcasted_iota(jnp.int32, (E, NB), 1).astype(jnp.float32)
    be = jnp.sum((bcum_col <= bi).astype(jnp.int32), axis=0, keepdims=True)
    be_ref[...] = jnp.minimum(be, E - 1)
    nb_ref[...] = bcum[:, E - 1:E].astype(jnp.int32)


def _routing(flat, gate_w):
    return pl.pallas_call(
        _routing_body,
        out_shape=[
            jax.ShapeDtypeStruct((B, 1), jnp.int32),
            jax.ShapeDtypeStruct((B, 1), jnp.int32),
            jax.ShapeDtypeStruct((1, NB), jnp.int32),
            jax.ShapeDtypeStruct((B, TOPK), jnp.float32),
            jax.ShapeDtypeStruct((1, 1), jnp.int32),
        ],
    )(flat, gate_w)


def _sc_dispatch(tokens2d, pos0, pos1):
    mesh = plsc.VectorSubcoreMesh(core_axis_name="c", subcore_axis_name="s")

    @functools.partial(
        pl.kernel,
        mesh=mesh,
        out_type=jax.ShapeDtypeStruct((P, TD), jnp.float32),
        scratch_types=[
            pltpu.VMEM((RW,), jnp.int32),
            pltpu.VMEM((RW, TD), jnp.float32),
            pltpu.SemaphoreType.DMA,
        ],
    )
    def scatter_k(tok_hbm, p0_hbm, p1_hbm, out_hbm, idx_v, rows_v, sem):
        wid = lax.axis_index("s") * NC + lax.axis_index("c")
        base = wid * RW
        pltpu.sync_copy(tok_hbm.at[pl.ds(base, RW)], rows_v)
        pltpu.sync_copy(p0_hbm.at[pl.ds(base, RW)], idx_v)
        pltpu.async_copy(rows_v, out_hbm.at[idx_v], sem).wait()
        pltpu.sync_copy(p1_hbm.at[pl.ds(base, RW)], idx_v)
        pltpu.async_copy(rows_v, out_hbm.at[idx_v], sem).wait()

    return scatter_k(tokens2d, pos0, pos1)


def _sc_collect(y2d, pos0, pos1):
    mesh = plsc.VectorSubcoreMesh(core_axis_name="c", subcore_axis_name="s")

    @functools.partial(
        pl.kernel,
        mesh=mesh,
        out_type=jax.ShapeDtypeStruct((TOPK * B, TD), jnp.float32),
        scratch_types=[
            pltpu.VMEM((RW,), jnp.int32),
            pltpu.VMEM((RW, TD), jnp.float32),
            pltpu.SemaphoreType.DMA,
        ],
    )
    def gather_k(y_hbm, p0_hbm, p1_hbm, out_hbm, idx_v, rows_v, sem):
        wid = lax.axis_index("s") * NC + lax.axis_index("c")
        base = wid * RW
        pltpu.sync_copy(p0_hbm.at[pl.ds(base, RW)], idx_v)
        pltpu.async_copy(y_hbm.at[idx_v], rows_v, sem).wait()
        pltpu.sync_copy(rows_v, out_hbm.at[pl.ds(base, RW)])
        pltpu.sync_copy(p1_hbm.at[pl.ds(base, RW)], idx_v)
        pltpu.async_copy(y_hbm.at[idx_v], rows_v, sem).wait()
        pltpu.sync_copy(rows_v, out_hbm.at[pl.ds(B + base, RW)])

    return gather_k(y2d, pos0, pos1)


def _bdot(a, b, dn=None):
    if dn is None:
        return jnp.dot(a.astype(jnp.bfloat16), b.astype(jnp.bfloat16),
                       preferred_element_type=jnp.float32)
    return lax.dot_general(a.astype(jnp.bfloat16), b.astype(jnp.bfloat16),
                           dn, preferred_element_type=jnp.float32)


_T = (((1,), (1,)), ((), ()))


def _ln(x, g, b):
    m = jnp.mean(x, axis=-1, keepdims=True)
    d = x - m
    v = jnp.mean(d * d, axis=-1, keepdims=True)
    return d * lax.rsqrt(v + 1e-5) * g + b


def _expert_body(be_ref, nb_ref, x_ref, in_w_ref, in_b_ref, out_w_ref,
                 out_b_ref, ln1_g_ref, ln1_b_ref, w1_ref, b1_ref, w2_ref,
                 b2_ref, ln2_g_ref, ln2_b_ref, y_ref, o_scr):
    @pl.when(pl.program_id(0) < nb_ref[0])
    def _run():
        _expert_block(x_ref, in_w_ref, in_b_ref, out_w_ref, out_b_ref,
                      ln1_g_ref, ln1_b_ref, w1_ref, b1_ref, w2_ref, b2_ref,
                      ln2_g_ref, ln2_b_ref, y_ref, o_scr)


def _expert_block(x_ref, in_w_ref, in_b_ref, out_w_ref, out_b_ref,
                  ln1_g_ref, ln1_b_ref, w1_ref, b1_ref, w2_ref, b2_ref,
                  ln2_g_ref, ln2_b_ref, y_ref, o_scr):
    x = x_ref[...]
    qkv = _bdot(x, in_w_ref[0], _T) + in_b_ref[0]
    r = lax.broadcasted_iota(jnp.int32, (ROWS, ROWS), 0) // NA
    c = lax.broadcasted_iota(jnp.int32, (ROWS, ROWS), 1) // NA
    mask = r == c
    scale = 1.0 / (DH ** 0.5)
    qb = (qkv[:, :D] * scale).astype(jnp.bfloat16)
    kvb = qkv[:, D:].astype(jnp.bfloat16)
    for h in range(HEADS):
        qh = qb[:, h * DH:(h + 1) * DH]
        kh = kvb[:, h * DH:(h + 1) * DH]
        vh = kvb[:, D + h * DH:D + (h + 1) * DH]
        s = lax.dot_general(qh, kh, _T, preferred_element_type=jnp.float32)
        s = jnp.where(mask, s, -1e30)
        m = jnp.max(s, axis=1, keepdims=True)
        p = jnp.exp(s - m)
        inv = 1.0 / jnp.sum(p, axis=1, keepdims=True)
        o_scr[:, h * DH:(h + 1) * DH] = _bdot(p, vh) * inv
    o = _bdot(o_scr[...], out_w_ref[0], _T) + out_b_ref[0]
    x1 = _ln(x + o, ln1_g_ref[0], ln1_b_ref[0])
    h1 = jnp.maximum(_bdot(x1, w1_ref[0]) + b1_ref[0], 0.0)
    ff = _bdot(h1, w2_ref[0]) + b2_ref[0]
    y = _ln(x1 + ff, ln2_g_ref[0], ln2_b_ref[0])
    y_ref[...] = y


def _head_body(x0_ref, x1_ref, g_ref, w1_ref, b1_ref, w2_ref, b2_ref, o_ref):
    g = g_ref[...]
    x = x0_ref[...] * g[:, :1] + x1_ref[...] * g[:, 1:2]
    h = jnp.maximum(_bdot(x, w1_ref[...]) + b1_ref[...], 0.0)
    o_ref[...] = _bdot(h, w2_ref[...]) + b2_ref[...]


def kernel(z, actions, gate_w, in_w, in_b, out_w, out_b, ln1_g, ln1_b,
           ffn_w1, ffn_b1, ffn_w2, ffn_b2, ln2_g, ln2_b,
           head_w1, head_b1, head_w2, head_b2):
    tokens = jnp.concatenate([z, actions], axis=-1)
    flat = tokens.reshape(B, TD)

    pos0, pos1, be, gates, nb = _routing(flat, gate_w)
    pos0 = pos0.reshape(B)
    pos1 = pos1.reshape(B)
    be = be.reshape(NB)
    nb = nb.reshape(1)

    sorted_x = _sc_dispatch(flat, pos0, pos1)

    wspec = lambda s1, s2: pl.BlockSpec((1, s1, s2),
                                        lambda i, be, nb: (be[i], 0, 0))
    bspec = lambda s: pl.BlockSpec((1, 1, s), lambda i, be, nb: (be[i], 0, 0))
    sorted_y = pl.pallas_call(
        _expert_body,
        grid_spec=pltpu.PrefetchScalarGridSpec(
            num_scalar_prefetch=2,
            grid=(NB,),
            in_specs=[
                pl.BlockSpec((ROWS, D), lambda i, be, nb: (i, 0)),
                wspec(3 * D, D), bspec(3 * D),
                wspec(D, D), bspec(D), bspec(D), bspec(D),
                wspec(D, FFN), bspec(FFN),
                wspec(FFN, D), bspec(D), bspec(D), bspec(D),
            ],
            out_specs=pl.BlockSpec((ROWS, D), lambda i, be, nb: (i, 0)),
            scratch_shapes=[pltpu.VMEM((ROWS, D), jnp.float32)],
        ),
        out_shape=jax.ShapeDtypeStruct((P * NA, D), jnp.float32),
    )(be, nb, sorted_x.reshape(P * NA, D),
      in_w, in_b.reshape(E, 1, 3 * D),
      out_w, out_b.reshape(E, 1, D),
      ln1_g.reshape(E, 1, D), ln1_b.reshape(E, 1, D),
      ffn_w1, ffn_b1.reshape(E, 1, FFN),
      ffn_w2, ffn_b2.reshape(E, 1, D),
      ln2_g.reshape(E, 1, D), ln2_b.reshape(E, 1, D))

    y01 = _sc_collect(sorted_y.reshape(P, TD), pos0, pos1)

    BB = 256
    reward = pl.pallas_call(
        _head_body,
        grid=(B // BB,),
        in_specs=[
            pl.BlockSpec((BB, TD), lambda i: (i, 0)),
            pl.BlockSpec((BB, TD), lambda i: (i + B // BB, 0)),
            pl.BlockSpec((BB, TOPK), lambda i: (i, 0)),
            pl.BlockSpec((TD, HHID), lambda i: (0, 0)),
            pl.BlockSpec((1, HHID), lambda i: (0, 0)),
            pl.BlockSpec((HHID, BINS), lambda i: (0, 0)),
            pl.BlockSpec((1, BINS), lambda i: (0, 0)),
        ],
        out_specs=pl.BlockSpec((BB, BINS), lambda i: (i, 0)),
        out_shape=jax.ShapeDtypeStruct((B, BINS), jnp.float32),
    )(y01, y01, gates, head_w1, head_b1.reshape(1, HHID), head_w2,
      head_b2.reshape(1, BINS))
    return reward

# --- scband reference (transcript-rebuilt; emitter-appended) ---
"""Pipeline reference for scband-sparse-mo-ereward-model-54606214201798 (READ-ONLY COPY).

The authoritative reference and input builder live on the scoring server;
editing this copy changes nothing except your own understanding.
"""

import jax, jax.numpy as jnp
import numpy as np

B, NA, LD, AD = 1024, 8, 192, 64
D = LD + AD
E, TOPK, HEADS, FFN, HHID, BINS = 8, 2, 4, 1024, 512, 101


def setup_inputs(seed: int = 0) -> dict:
    key = jax.random.key(seed)
    ks = jax.random.split(key, 20)
    s = 0.02
    inp = {
        'z': jax.random.normal(ks[0], (B, NA, LD), jnp.float32),
        'actions': jax.random.normal(ks[1], (B, NA, AD), jnp.float32),
        'gate_w': jax.random.normal(ks[2], (NA * D, E), jnp.float32) * s,
        'in_w': jax.random.normal(ks[3], (E, 3 * D, D), jnp.float32) * s,
        'in_b': jnp.zeros((E, 3 * D), jnp.float32),
        'out_w': jax.random.normal(ks[4], (E, D, D), jnp.float32) * s,
        'out_b': jnp.zeros((E, D), jnp.float32),
        'ln1_g': jnp.ones((E, D), jnp.float32),
        'ln1_b': jnp.zeros((E, D), jnp.float32),
        'ffn_w1': jax.random.normal(ks[5], (E, D, FFN), jnp.float32) * s,
        'ffn_b1': jnp.zeros((E, FFN), jnp.float32),
        'ffn_w2': jax.random.normal(ks[6], (E, FFN, D), jnp.float32) * s,
        'ffn_b2': jnp.zeros((E, D), jnp.float32),
        'ln2_g': jnp.ones((E, D), jnp.float32),
        'ln2_b': jnp.zeros((E, D), jnp.float32),
        'head_w1': jax.random.normal(ks[7], (NA * D, HHID), jnp.float32) * s,
        'head_b1': jnp.zeros((HHID,), jnp.float32),
        'head_w2': jax.random.normal(ks[8], (HHID, BINS), jnp.float32) * s,
        'head_b2': jnp.zeros((BINS,), jnp.float32),
    }
    return inp


def _ln(x, g, b):
    m = x.mean(-1, keepdims=True)
    v = ((x - m) ** 2).mean(-1, keepdims=True)
    return (x - m) / jnp.sqrt(v + 1e-5) * g + b


def _expert(tokens, in_w, in_b, out_w, out_b, g1, b1, w1, bb1, w2, bb2, g2, b2):
    Bs, N, Dd = tokens.shape
    dh = Dd // HEADS
    qkv = tokens @ in_w.T + in_b
    q, k, v = jnp.split(qkv, 3, axis=-1)
    def sh(t):
        return t.reshape(Bs, N, HEADS, dh).transpose(0, 2, 1, 3)
    q, k, v = sh(q), sh(k), sh(v)
    att = jax.nn.softmax(q @ k.transpose(0, 1, 3, 2) / jnp.sqrt(dh), axis=-1)
    o = (att @ v).transpose(0, 2, 1, 3).reshape(Bs, N, Dd)
    o = o @ out_w.T + out_b
    x = _ln(tokens + o, g1, b1)
    ff = jax.nn.relu(x @ w1 + bb1) @ w2 + bb2
    return _ln(x + ff, g2, b2)


def reference(z, actions, gate_w, in_w, in_b, out_w, out_b, ln1_g, ln1_b,
              ffn_w1, ffn_b1, ffn_w2, ffn_b2, ln2_g, ln2_b,
              head_w1, head_b1, head_w2, head_b2):
    tokens = jnp.concatenate([z, actions], axis=-1)  # (B, NA, D)
    flat = tokens.reshape(tokens.shape[0], -1)  # (B, NA*D)
    # NoisyTopKRouter in eval mode: no noise, clean logits only
    logits = flat @ gate_w  # (B, E)
    kk = min(TOPK + 1, E)
    top_values, top_indices = jax.lax.top_k(logits, kk)
    top_k_values = top_values[:, :TOPK]
    top_k_indices = top_indices[:, :TOPK]
    top_k_gates = jax.nn.softmax(top_k_values, axis=1)
    gates = jnp.zeros_like(logits).at[
        jnp.arange(logits.shape[0])[:, None], top_k_indices].set(top_k_gates)
    # run every expert (gates are zero outside top-k, so weighted sum == sparse dispatch)
    outs = jax.vmap(lambda a, b, c, d, e, f, g, h, i, j, k, l: _expert(
        tokens, a, b, c, d, e, f, g, h, i, j, k, l))(
        in_w, in_b, out_w, out_b, ln1_g, ln1_b,
        ffn_w1, ffn_b1, ffn_w2, ffn_b2, ln2_g, ln2_b)  # (E, B, NA, D)
    mixed = jnp.einsum('be,ebnd->bnd', gates, outs)
    h = mixed.reshape(mixed.shape[0], -1)
    h = jax.nn.relu(h @ head_w1 + head_b1)
    reward_logits = h @ head_w2 + head_b2  # (B, BINS)
    return reward_logits

if __name__ == "__main__":
    import jax
    _d = setup_inputs()
    print(jax.jit(kernel)(*tuple(_d.values())))

</pallas_src>

<mosaic_0001>
#map = affine_map<(d0, d1) -> (0, 0)>
#map1 = affine_map<(d0, d1) -> (0)>
module attributes {stable_mosaic.version = 14 : i64} {
  func.func @gather_k(%arg0: i32, %arg1: i32, %arg2: memref<2176x2048xf32, #tpu.memory_space<hbm>>, %arg3: memref<1024xi32, #tpu.memory_space<hbm>>, %arg4: memref<1024xi32, #tpu.memory_space<hbm>>, %arg5: memref<2048x2048xf32, #tpu.memory_space<hbm>>, %arg6: memref<32xi32, #tpu.memory_space<vmem>>, %arg7: memref<32x2048xf32, #tpu.memory_space<vmem>>, %arg8: memref<!tpu.dma_semaphore, #tpu.memory_space<semaphore_mem>>) attributes {dimension_semantics = [#tpu.dimension_semantics<core_parallel>, #tpu.dimension_semantics<subcore_parallel>], iteration_bounds = array<i64: 2, 16>, scalar_prefetch = 0 : i64, scratch_operands = 3 : i64, tpu.core_type = #tpu.core_type<sc_vector_subcore>, window_params = [{transform_indices = #map}, {transform_indices = #map1}, {transform_indices = #map1}, {transform_indices = #map}]} {
    %mul3A = arith.constant 2 : i32
    %mul3A_0 = arith.muli %arg1, %mul3A : i32
    %add3A = arith.addi %mul3A_0, %arg0 : i32
    %mul3A_1 = arith.constant 32 : i32
    %mul3A_2 = arith.muli %add3A, %mul3A_1 : i32
    "tpu.region"() ({
      %run_scoped3A = tpu.sem_alloc : memref<!tpu.dma_semaphore, #tpu.memory_space<semaphore_mem>>
      %dma_start3A_15 = tpu.memref_slice %arg3[%mul3A_2] : memref<1024xi32, #tpu.memory_space<hbm>> -> memref<32xi32, #tpu.memory_space<hbm>>
      %dma_start3A_16 = tpu.memref_slice %arg3[%mul3A_2] : memref<1024xi32, #tpu.memory_space<hbm>> -> memref<32xi32, #tpu.memory_space<hbm>>
      tpu.enqueue_dma source(%dma_start3A_16 : memref<32xi32, #tpu.memory_space<hbm>>) target(%arg6 : memref<32xi32, #tpu.memory_space<vmem>>) target_semaphore(%run_scoped3A : memref<!tpu.dma_semaphore, #tpu.memory_space<semaphore_mem>>)
      %dma_wait3A_17 = tpu.memref_slice %arg3[%mul3A_2] : memref<1024xi32, #tpu.memory_space<hbm>> -> memref<32xi32, #tpu.memory_space<hbm>>
      %dma_wait3A_18 = tpu.memref_slice %arg3[%mul3A_2] : memref<1024xi32, #tpu.memory_space<hbm>> -> memref<32xi32, #tpu.memory_space<hbm>>
      tpu.wait_dma2 semaphore(%run_scoped3A : memref<!tpu.dma_semaphore, #tpu.memory_space<semaphore_mem>>) src(%dma_wait3A_18 : memref<32xi32, #tpu.memory_space<hbm>>) dst(%arg6 : memref<32xi32, #tpu.memory_space<vmem>>)
      tpu.yield
    }) : () -> ()
    %dma_start3A = arith.constant 0 : i32
    %dma_start3A_3 = arith.constant 0 : i32
    %dma_start3A_4 = tpu.memref_slice %arg2[%dma_start3A, %dma_start3A_3] : memref<2176x2048xf32, #tpu.memory_space<hbm>> -> memref<2176x2048xf32, #tpu.memory_space<hbm>>
    tpu.enqueue_indirect_dma source(%dma_start3A_4 : memref<2176x2048xf32, #tpu.memory_space<hbm>>) target(%arg7 : memref<32x2048xf32, #tpu.memory_space<vmem>>) offsets(%arg6 : memref<32xi32, #tpu.memory_space<vmem>>) semaphore(%arg8 : memref<!tpu.dma_semaphore, #tpu.memory_space<semaphore_mem>>)
    %dma_wait3A = arith.constant 0 : i32
    %dma_wait3A_5 = arith.constant 0 : i32
    %dma_wait3A_6 = tpu.memref_slice %arg2[%dma_wait3A, %dma_wait3A_5] : memref<2176x2048xf32, #tpu.memory_space<hbm>> -> memref<2176x2048xf32, #tpu.memory_space<hbm>>
    tpu.wait_indirect_dma semaphore(%arg8 : memref<!tpu.dma_semaphore, #tpu.memory_space<semaphore_mem>>) src(%dma_wait3A_6 : memref<2176x2048xf32, #tpu.memory_space<hbm>>) dst(%arg7 : memref<32x2048xf32, #tpu.memory_space<vmem>>)
    "tpu.region"() ({
      %run_scoped3A = tpu.sem_alloc : memref<!tpu.dma_semaphore, #tpu.memory_space<semaphore_mem>>
      %dma_start3A_15 = arith.constant 0 : i32
      %dma_start3A_16 = tpu.memref_slice %arg5[%mul3A_2, %dma_start3A_15] : memref<2048x2048xf32, #tpu.memory_space<hbm>> -> memref<32x2048xf32, #tpu.memory_space<hbm>>
      %dma_start3A_17 = arith.constant 0 : i32
      %dma_start3A_18 = tpu.memref_slice %arg5[%mul3A_2, %dma_start3A_17] : memref<2048x2048xf32, #tpu.memory_space<hbm>> -> memref<32x2048xf32, #tpu.memory_space<hbm>>
      tpu.enqueue_dma source(%arg7 : memref<32x2048xf32, #tpu.memory_space<vmem>>) target(%dma_start3A_18 : memref<32x2048xf32, #tpu.memory_space<hbm>>) target_semaphore(%run_scoped3A : memref<!tpu.dma_semaphore, #tpu.memory_space<semaphore_mem>>)
      %dma_wait3A_19 = arith.constant 0 : i32
      %dma_wait3A_20 = tpu.memref_slice %arg5[%mul3A_2, %dma_wait3A_19] : memref<2048x2048xf32, #tpu.memory_space<hbm>> -> memref<32x2048xf32, #tpu.memory_space<hbm>>
      %dma_wait3A_21 = arith.constant 0 : i32
      %dma_wait3A_22 = tpu.memref_slice %arg5[%mul3A_2, %dma_wait3A_21] : memref<2048x2048xf32, #tpu.memory_space<hbm>> -> memref<32x2048xf32, #tpu.memory_space<hbm>>
      tpu.wait_dma2 semaphore(%run_scoped3A : memref<!tpu.dma_semaphore, #tpu.memory_space<semaphore_mem>>) src(%arg7 : memref<32x2048xf32, #tpu.memory_space<vmem>>) dst(%dma_wait3A_22 : memref<32x2048xf32, #tpu.memory_space<hbm>>)
      tpu.yield
    }) : () -> ()
    "tpu.region"() ({
      %run_scoped3A = tpu.sem_alloc : memref<!tpu.dma_semaphore, #tpu.memory_space<semaphore_mem>>
      %dma_start3A_15 = tpu.memref_slice %arg4[%mul3A_2] : memref<1024xi32, #tpu.memory_space<hbm>> -> memref<32xi32, #tpu.memory_space<hbm>>
      %dma_start3A_16 = tpu.memref_slice %arg4[%mul3A_2] : memref<1024xi32, #tpu.memory_space<hbm>> -> memref<32xi32, #tpu.memory_space<hbm>>
      tpu.enqueue_dma source(%dma_start3A_16 : memref<32xi32, #tpu.memory_space<hbm>>) target(%arg6 : memref<32xi32, #tpu.memory_space<vmem>>) target_semaphore(%run_scoped3A : memref<!tpu.dma_semaphore, #tpu.memory_space<semaphore_mem>>)
      %dma_wait3A_17 = tpu.memref_slice %arg4[%mul3A_2] : memref<1024xi32, #tpu.memory_space<hbm>> -> memref<32xi32, #tpu.memory_space<hbm>>
      %dma_wait3A_18 = tpu.memref_slice %arg4[%mul3A_2] : memref<1024xi32, #tpu.memory_space<hbm>> -> memref<32xi32, #tpu.memory_space<hbm>>
      tpu.wait_dma2 semaphore(%run_scoped3A : memref<!tpu.dma_semaphore, #tpu.memory_space<semaphore_mem>>) src(%dma_wait3A_18 : memref<32xi32, #tpu.memory_space<hbm>>) dst(%arg6 : memref<32xi32, #tpu.memory_space<vmem>>)
      tpu.yield
    }) : () -> ()
    %dma_start3A_7 = arith.constant 0 : i32
    %dma_start3A_8 = arith.constant 0 : i32
    %dma_start3A_9 = tpu.memref_slice %arg2[%dma_start3A_7, %dma_start3A_8] : memref<2176x2048xf32, #tpu.memory_space<hbm>> -> memref<2176x2048xf32, #tpu.memory_space<hbm>>
    tpu.enqueue_indirect_dma source(%dma_start3A_9 : memref<2176x2048xf32, #tpu.memory_space<hbm>>) target(%arg7 : memref<32x2048xf32, #tpu.memory_space<vmem>>) offsets(%arg6 : memref<32xi32, #tpu.memory_space<vmem>>) semaphore(%arg8 : memref<!tpu.dma_semaphore, #tpu.memory_space<semaphore_mem>>)
    %dma_wait3A_10 = arith.constant 0 : i32
    %dma_wait3A_11 = arith.constant 0 : i32
    %dma_wait3A_12 = tpu.memref_slice %arg2[%dma_wait3A_10, %dma_wait3A_11] : memref<2176x2048xf32, #tpu.memory_space<hbm>> -> memref<2176x2048xf32, #tpu.memory_space<hbm>>
    tpu.wait_indirect_dma semaphore(%arg8 : memref<!tpu.dma_semaphore, #tpu.memory_space<semaphore_mem>>) src(%dma_wait3A_12 : memref<2176x2048xf32, #tpu.memory_space<hbm>>) dst(%arg7 : memref<32x2048xf32, #tpu.memory_space<vmem>>)
    %add3A_13 = arith.constant 1024 : i32
    %add3A_14 = arith.addi %add3A_13, %mul3A_2 : i32
    "tpu.region"() ({
      %run_scoped3A = tpu.sem_alloc : memref<!tpu.dma_semaphore, #tpu.memory_space<semaphore_mem>>
      %dma_start3A_15 = arith.constant 0 : i32
      %dma_start3A_16 = tpu.memref_slice %arg5[%add3A_14, %dma_start3A_15] : memref<2048x2048xf32, #tpu.memory_space<hbm>> -> memref<32x2048xf32, #tpu.memory_space<hbm>>
      %dma_start3A_17 = arith.constant 0 : i32
      %dma_start3A_18 = tpu.memref_slice %arg5[%add3A_14, %dma_start3A_17] : memref<2048x2048xf32, #tpu.memory_space<hbm>> -> memref<32x2048xf32, #tpu.memory_space<hbm>>
      tpu.enqueue_dma source(%arg7 : memref<32x2048xf32, #tpu.memory_space<vmem>>) target(%dma_start3A_18 : memref<32x2048xf32, #tpu.memory_space<hbm>>) target_semaphore(%run_scoped3A : memref<!tpu.dma_semaphore, #tpu.memory_space<semaphore_mem>>)
      %dma_wait3A_19 = arith.constant 0 : i32
      %dma_wait3A_20 = tpu.memref_slice %arg5[%add3A_14, %dma_wait3A_19] : memref<2048x2048xf32, #tpu.memory_space<hbm>> -> memref<32x2048xf32, #tpu.memory_space<hbm>>
      %dma_wait3A_21 = arith.constant 0 : i32
      %dma_wait3A_22 = tpu.memref_slice %arg5[%add3A_14, %dma_wait3A_21] : memref<2048x2048xf32, #tpu.memory_space<hbm>> -> memref<32x2048xf32, #tpu.memory_space<hbm>>
      tpu.wait_dma2 semaphore(%run_scoped3A : memref<!tpu.dma_semaphore, #tpu.memory_space<semaphore_mem>>) src(%arg7 : memref<32x2048xf32, #tpu.memory_space<vmem>>) dst(%dma_wait3A_22 : memref<32x2048xf32, #tpu.memory_space<hbm>>)
      tpu.yield
    }) : () -> ()
    return
  }
}

#map = affine_map<(d0, d1) -> (0, 0)>
#map1 = affine_map<(d0, d1) -> (0)>
module attributes {stable_mosaic.version = 14 : i64} {
  func.func @scatter_k(%arg0: i32, %arg1: i32, %arg2: memref<1024x2048xf32, #tpu.memory_space<hbm>>, %arg3: memref<1024xi32, #tpu.memory_space<hbm>>, %arg4: memref<1024xi32, #tpu.memory_space<hbm>>, %arg5: memref<2176x2048xf32, #tpu.memory_space<hbm>>, %arg6: memref<32xi32, #tpu.memory_space<vmem>>, %arg7: memref<32x2048xf32, #tpu.memory_space<vmem>>, %arg8: memref<!tpu.dma_semaphore, #tpu.memory_space<semaphore_mem>>) attributes {dimension_semantics = [#tpu.dimension_semantics<core_parallel>, #tpu.dimension_semantics<subcore_parallel>], iteration_bounds = array<i64: 2, 16>, scalar_prefetch = 0 : i64, scratch_operands = 3 : i64, tpu.core_type = #tpu.core_type<sc_vector_subcore>, window_params = [{transform_indices = #map}, {transform_indices = #map1}, {transform_indices = #map1}, {transform_indices = #map}]} {
    %mul3A = arith.constant 2 : i32
    %mul3A_0 = arith.muli %arg1, %mul3A : i32
    %add3A = arith.addi %mul3A_0, %arg0 : i32
    %mul3A_1 = arith.constant 32 : i32
    %mul3A_2 = arith.muli %add3A, %mul3A_1 : i32
    "tpu.region"() ({
      %run_scoped3A = tpu.sem_alloc : memref<!tpu.dma_semaphore, #tpu.memory_space<semaphore_mem>>
      %dma_start3A_13 = arith.constant 0 : i32
      %dma_start3A_14 = tpu.memref_slice %arg2[%mul3A_2, %dma_start3A_13] : memref<1024x2048xf32, #tpu.memory_space<hbm>> -> memref<32x2048xf32, #tpu.memory_space<hbm>>
      %dma_start3A_15 = arith.constant 0 : i32
      %dma_start3A_16 = tpu.memref_slice %arg2[%mul3A_2, %dma_start3A_15] : memref<1024x2048xf32, #tpu.memory_space<hbm>> -> memref<32x2048xf32, #tpu.memory_space<hbm>>
      tpu.enqueue_dma source(%dma_start3A_16 : memref<32x2048xf32, #tpu.memory_space<hbm>>) target(%arg7 : memref<32x2048xf32, #tpu.memory_space<vmem>>) target_semaphore(%run_scoped3A : memref<!tpu.dma_semaphore, #tpu.memory_space<semaphore_mem>>)
      %dma_wait3A_17 = arith.constant 0 : i32
      %dma_wait3A_18 = tpu.memref_slice %arg2[%mul3A_2, %dma_wait3A_17] : memref<1024x2048xf32, #tpu.memory_space<hbm>> -> memref<32x2048xf32, #tpu.memory_space<hbm>>
      %dma_wait3A_19 = arith.constant 0 : i32
      %dma_wait3A_20 = tpu.memref_slice %arg2[%mul3A_2, %dma_wait3A_19] : memref<1024x2048xf32, #tpu.memory_space<hbm>> -> memref<32x2048xf32, #tpu.memory_space<hbm>>
      tpu.wait_dma2 semaphore(%run_scoped3A : memref<!tpu.dma_semaphore, #tpu.memory_space<semaphore_mem>>) src(%dma_wait3A_20 : memref<32x2048xf32, #tpu.memory_space<hbm>>) dst(%arg7 : memref<32x2048xf32, #tpu.memory_space<vmem>>)
      tpu.yield
    }) : () -> ()
    "tpu.region"() ({
      %run_scoped3A = tpu.sem_alloc : memref<!tpu.dma_semaphore, #tpu.memory_space<semaphore_mem>>
      %dma_start3A_13 = tpu.memref_slice %arg3[%mul3A_2] : memref<1024xi32, #tpu.memory_space<hbm>> -> memref<32xi32, #tpu.memory_space<hbm>>
      %dma_start3A_14 = tpu.memref_slice %arg3[%mul3A_2] : memref<1024xi32, #tpu.memory_space<hbm>> -> memref<32xi32, #tpu.memory_space<hbm>>
      tpu.enqueue_dma source(%dma_start3A_14 : memref<32xi32, #tpu.memory_space<hbm>>) target(%arg6 : memref<32xi32, #tpu.memory_space<vmem>>) target_semaphore(%run_scoped3A : memref<!tpu.dma_semaphore, #tpu.memory_space<semaphore_mem>>)
      %dma_wait3A_15 = tpu.memref_slice %arg3[%mul3A_2] : memref<1024xi32, #tpu.memory_space<hbm>> -> memref<32xi32, #tpu.memory_space<hbm>>
      %dma_wait3A_16 = tpu.memref_slice %arg3[%mul3A_2] : memref<1024xi32, #tpu.memory_space<hbm>> -> memref<32xi32, #tpu.memory_space<hbm>>
      tpu.wait_dma2 semaphore(%run_scoped3A : memref<!tpu.dma_semaphore, #tpu.memory_space<semaphore_mem>>) src(%dma_wait3A_16 : memref<32xi32, #tpu.memory_space<hbm>>) dst(%arg6 : memref<32xi32, #tpu.memory_space<vmem>>)
      tpu.yield
    }) : () -> ()
    %dma_start3A = arith.constant 0 : i32
    %dma_start3A_3 = arith.constant 0 : i32
    %dma_start3A_4 = tpu.memref_slice %arg5[%dma_start3A, %dma_start3A_3] : memref<2176x2048xf32, #tpu.memory_space<hbm>> -> memref<2176x2048xf32, #tpu.memory_space<hbm>>
    tpu.enqueue_indirect_dma source(%arg7 : memref<32x2048xf32, #tpu.memory_space<vmem>>) target(%dma_start3A_4 : memref<2176x2048xf32, #tpu.memory_space<hbm>>) offsets(%arg6 : memref<32xi32, #tpu.memory_space<vmem>>) semaphore(%arg8 : memref<!tpu.dma_semaphore, #tpu.memory_space<semaphore_mem>>)
    %dma_wait3A = arith.constant 0 : i32
    %dma_wait3A_5 = arith.constant 0 : i32
    %dma_wait3A_6 = tpu.memref_slice %arg5[%dma_wait3A, %dma_wait3A_5] : memref<2176x2048xf32, #tpu.memory_space<hbm>> -> memref<2176x2048xf32, #tpu.memory_space<hbm>>
    tpu.wait_indirect_dma semaphore(%arg8 : memref<!tpu.dma_semaphore, #tpu.memory_space<semaphore_mem>>) src(%arg7 : memref<32x2048xf32, #tpu.memory_space<vmem>>) dst(%dma_wait3A_6 : memref<2176x2048xf32, #tpu.memory_space<hbm>>)
    "tpu.region"() ({
      %run_scoped3A = tpu.sem_alloc : memref<!tpu.dma_semaphore, #tpu.memory_space<semaphore_mem>>
      %dma_start3A_13 = tpu.memref_slice %arg4[%mul3A_2] : memref<1024xi32, #tpu.memory_space<hbm>> -> memref<32xi32, #tpu.memory_space<hbm>>
      %dma_start3A_14 = tpu.memref_slice %arg4[%mul3A_2] : memref<1024xi32, #tpu.memory_space<hbm>> -> memref<32xi32, #tpu.memory_space<hbm>>
      tpu.enqueue_dma source(%dma_start3A_14 : memref<32xi32, #tpu.memory_space<hbm>>) target(%arg6 : memref<32xi32, #tpu.memory_space<vmem>>) target_semaphore(%run_scoped3A : memref<!tpu.dma_semaphore, #tpu.memory_space<semaphore_mem>>)
      %dma_wait3A_15 = tpu.memref_slice %arg4[%mul3A_2] : memref<1024xi32, #tpu.memory_space<hbm>> -> memref<32xi32, #tpu.memory_space<hbm>>
      %dma_wait3A_16 = tpu.memref_slice %arg4[%mul3A_2] : memref<1024xi32, #tpu.memory_space<hbm>> -> memref<32xi32, #tpu.memory_space<hbm>>
      tpu.wait_dma2 semaphore(%run_scoped3A : memref<!tpu.dma_semaphore, #tpu.memory_space<semaphore_mem>>) src(%dma_wait3A_16 : memref<32xi32, #tpu.memory_space<hbm>>) dst(%arg6 : memref<32xi32, #tpu.memory_space<vmem>>)
      tpu.yield
    }) : () -> ()
    %dma_start3A_7 = arith.constant 0 : i32
    %dma_start3A_8 = arith.constant 0 : i32
    %dma_start3A_9 = tpu.memref_slice %arg5[%dma_start3A_7, %dma_start3A_8] : memref<2176x2048xf32, #tpu.memory_space<hbm>> -> memref<2176x2048xf32, #tpu.memory_space<hbm>>
    tpu.enqueue_indirect_dma source(%arg7 : memref<32x2048xf32, #tpu.memory_space<vmem>>) target(%dma_start3A_9 : memref<2176x2048xf32, #tpu.memory_space<hbm>>) offsets(%arg6 : memref<32xi32, #tpu.memory_space<vmem>>) semaphore(%arg8 : memref<!tpu.dma_semaphore, #tpu.memory_space<semaphore_mem>>)
    %dma_wait3A_10 = arith.constant 0 : i32
    %dma_wait3A_11 = arith.constant 0 : i32
    %dma_wait3A_12 = tpu.memref_slice %arg5[%dma_wait3A_10, %dma_wait3A_11] : memref<2176x2048xf32, #tpu.memory_space<hbm>> -> memref<2176x2048xf32, #tpu.memory_space<hbm>>
    tpu.wait_indirect_dma semaphore(%arg8 : memref<!tpu.dma_semaphore, #tpu.memory_space<semaphore_mem>>) src(%arg7 : memref<32x2048xf32, #tpu.memory_space<vmem>>) dst(%dma_wait3A_12 : memref<2176x2048xf32, #tpu.memory_space<hbm>>)
    return
  }
}

module attributes {stable_mosaic.version = 14 : i64} {
  func.func @_routing_body(%arg0: memref<1024x2048xf32, #tpu.memory_space<vmem>>, %arg1: memref<2048x8xf32, #tpu.memory_space<vmem>>, %arg2: memref<1024x1xi32, #tpu.memory_space<vmem>>, %arg3: memref<1024x1xi32, #tpu.memory_space<vmem>>, %arg4: memref<1x136xi32, #tpu.memory_space<vmem>>, %arg5: memref<1024x2xf32, #tpu.memory_space<vmem>>, %arg6: memref<1x1xi32, #tpu.memory_space<vmem>>) attributes {dimension_semantics = [], scalar_prefetch = 0 : i64, scratch_operands = 0 : i64, tpu.core_type = #tpu.core_type<tc>} {
    %get3A = arith.constant 0 : index
    %get3A_0 = arith.constant 0 : index
    %get3A_1 = vector.load %arg0[%get3A, %get3A_0] : memref<1024x2048xf32, #tpu.memory_space<vmem>>, vector<1024x2048xf32>
    %get3A_2 = arith.constant 0 : index
    %get3A_3 = arith.constant 0 : index
    %get3A_4 = vector.load %arg1[%get3A_2, %get3A_3] : memref<2048x8xf32, #tpu.memory_space<vmem>>, vector<2048x8xf32>
    %dot_general3A = arith.constant dense<0.000000e+00> : vector<1024x8xf32>
    %dot_general3A_5 = tpu.matmul %get3A_1, %get3A_4, %dot_general3A {dimension_numbers = #tpu.dot_dimension_numbers<[1], [0], [0], [1], [0, 0, 1, 1], [], []>, transpose_lhs_hint = false} : vector<1024x2048xf32>, vector<2048x8xf32>, vector<1024x8xf32> -> vector<1024x8xf32>
    %iota3A = tpu.iota {dimensions = array<i32: 1>} : vector<1024x8xi32>
    %reduce_max3A = arith.constant dense<0xFF800000> : vector<1024xf32>
    %reduce_max3A_6 = vector.multi_reduction <maximumf>, %dot_general3A_5, %reduce_max3A [1] : vector<1024x8xf32> to vector<1024xf32>
    %broadcast_in_dim3A = vector.shape_cast %reduce_max3A_6 : vector<1024xf32> to vector<1024x1xf32>
    %eq3A = vector.broadcast %broadcast_in_dim3A : vector<1024x1xf32> to vector<1024x8xf32>
    %eq3A_7 = arith.cmpf oeq, %dot_general3A_5, %eq3A : vector<1024x8xf32>
    %jit3A = arith.constant 8 : i32
    %broadcast_in_dim3A_8 = vector.broadcast %jit3A : i32 to vector<1024x8xi32>
    %select_n3A = arith.select %eq3A_7, %iota3A, %broadcast_in_dim3A_8 : vector<1024x8xi1>, vector<1024x8xi32>
    %reduce_min3A = arith.constant dense<2147483647> : vector<1024xi32>
    %reduce_min3A_9 = vector.multi_reduction <minsi>, %select_n3A, %reduce_min3A [1] : vector<1024x8xi32> to vector<1024xi32>
    %broadcast_in_dim3A_10 = vector.shape_cast %reduce_min3A_9 : vector<1024xi32> to vector<1024x1xi32>
    %eq3A_11 = vector.broadcast %broadcast_in_dim3A_10 : vector<1024x1xi32> to vector<1024x8xi32>
    %eq3A_12 = arith.cmpi eq, %iota3A, %eq3A_11 : vector<1024x8xi32>
    %jit3A_13 = arith.constant 0xFF800000 : f32
    %broadcast_in_dim3A_14 = vector.broadcast %jit3A_13 : f32 to vector<1024x8xf32>
    %select_n3A_15 = arith.select %eq3A_12, %broadcast_in_dim3A_14, %dot_general3A_5 : vector<1024x8xi1>, vector<1024x8xf32>
    %reduce_max3A_16 = arith.constant dense<0xFF800000> : vector<1024xf32>
    %reduce_max3A_17 = vector.multi_reduction <maximumf>, %select_n3A_15, %reduce_max3A_16 [1] : vector<1024x8xf32> to vector<1024xf32>
    %broadcast_in_dim3A_18 = vector.shape_cast %reduce_max3A_17 : vector<1024xf32> to vector<1024x1xf32>
    %eq3A_19 = vector.broadcast %broadcast_in_dim3A_18 : vector<1024x1xf32> to vector<1024x8xf32>
    %eq3A_20 = arith.cmpf oeq, %select_n3A_15, %eq3A_19 : vector<1024x8xf32>
    %jit3A_21 = arith.constant 8 : i32
    %broadcast_in_dim3A_22 = vector.broadcast %jit3A_21 : i32 to vector<1024x8xi32>
    %select_n3A_23 = arith.select %eq3A_20, %iota3A, %broadcast_in_dim3A_22 : vector<1024x8xi1>, vector<1024x8xi32>
    %reduce_min3A_24 = arith.constant dense<2147483647> : vector<1024xi32>
    %reduce_min3A_25 = vector.multi_reduction <minsi>, %select_n3A_23, %reduce_min3A_24 [1] : vector<1024x8xi32> to vector<1024xi32>
    %broadcast_in_dim3A_26 = vector.shape_cast %reduce_min3A_25 : vector<1024xi32> to vector<1024x1xi32>
    %eq3A_27 = vector.broadcast %broadcast_in_dim3A_26 : vector<1024x1xi32> to vector<1024x8xi32>
    %eq3A_28 = arith.cmpi eq, %iota3A, %eq3A_27 : vector<1024x8xi32>
    %sub3A = arith.subf %broadcast_in_dim3A_18, %broadcast_in_dim3A : vector<1024x1xf32>
    %exp3A = math.exp %sub3A : vector<1024x1xf32>
    %add3A = arith.constant 1.000000e+00 : f32
    %add3A_29 = vector.broadcast %add3A : f32 to vector<1024x1xf32>
    %add3A_30 = arith.addf %add3A_29, %exp3A : vector<1024x1xf32>
    %div3A = arith.constant 1.000000e+00 : f32
    %div3A_31 = vector.broadcast %div3A : f32 to vector<1024x1xf32>
    %div3A_32 = arith.divf %div3A_31, %add3A_30 : vector<1024x1xf32>
    %sub3A_33 = arith.constant 1.000000e+00 : f32
    %sub3A_34 = vector.broadcast %sub3A_33 : f32 to vector<1024x1xf32>
    %sub3A_35 = arith.subf %sub3A_34, %div3A_32 : vector<1024x1xf32>
    %concatenate3A = tpu.concatenate %div3A_32, %sub3A_35 in 1 : vector<1024x1xf32>, vector<1024x1xf32> -> vector<1024x2xf32>
    %swap3A = arith.constant 0 : index
    %swap3A_36 = arith.constant 0 : index
    %swap3A_37 = vector.load %arg5[%swap3A, %swap3A_36] : memref<1024x2xf32, #tpu.memory_space<vmem>>, vector<1024x2xf32>
    tpu.vector_store %arg5[%swap3A, %swap3A_36], %concatenate3A {strides = array<i32>} : memref<1024x2xf32, #tpu.memory_space<vmem>>, vector<1024x2xf32>,
    %convert_element_type3A = arith.extui %eq3A_12 : vector<1024x8xi1> to vector<1024x8xi32>
    %convert_element_type3A_38 = arith.sitofp %convert_element_type3A : vector<1024x8xi32> to vector<1024x8xf32>
    %convert_element_type3A_39 = arith.extui %eq3A_28 : vector<1024x8xi1> to vector<1024x8xi32>
    %convert_element_type3A_40 = arith.sitofp %convert_element_type3A_39 : vector<1024x8xi32> to vector<1024x8xf32>
    %concatenate3A_41 = tpu.concatenate %convert_element_type3A_38, %convert_element_type3A_40 in 1 : vector<1024x8xf32>, vector<1024x8xf32> -> vector<1024x16xf32>
    %convert_element_type3A_42 = arith.truncf %concatenate3A_41 : vector<1024x16xf32> to vector<1024x16xbf16>
    %iota3A_43 = tpu.iota {dimensions = array<i32: 0>} : vector<1024x1024xi32>
    %iota3A_44 = tpu.iota {dimensions = array<i32: 1>} : vector<1024x1024xi32>
    %le3A = arith.cmpi sle, %iota3A_44, %iota3A_43 : vector<1024x1024xi32>
    %convert_element_type3A_45 = arith.extui %le3A : vector<1024x1024xi1> to vector<1024x1024xi32>
    %convert_element_type3A_46 = arith.sitofp %convert_element_type3A_45 : vector<1024x1024xi32> to vector<1024x1024xf32>
    %convert_element_type3A_47 = arith.truncf %convert_element_type3A_46 : vector<1024x1024xf32> to vector<1024x1024xbf16>
    %dot_general3A_48 = arith.constant dense<0.000000e+00> : vector<1024x16xf32>
    %dot_general3A_49 = tpu.matmul %convert_element_type3A_47, %convert_element_type3A_42, %dot_general3A_48 {dimension_numbers = #tpu.dot_dimension_numbers<[1], [0], [0], [1], [0, 0, 1, 1], [], []>, transpose_lhs_hint = false} : vector<1024x1024xbf16>, vector<1024x16xbf16>, vector<1024x16xf32> -> vector<1024x16xf32>
    %slice3A = vector.extract_strided_slice %dot_general3A_49 {offsets = [1023, 0], sizes = [1, 16], strides = [1, 1]} : vector<1024x16xf32> to vector<1x16xf32>
    %slice3A_50 = vector.extract_strided_slice %slice3A {offsets = [0, 0], sizes = [1, 8], strides = [1, 1]} : vector<1x16xf32> to vector<1x8xf32>
    %slice3A_51 = vector.extract_strided_slice %slice3A {offsets = [0, 8], sizes = [1, 8], strides = [1, 1]} : vector<1x16xf32> to vector<1x8xf32>
    %add3A_52 = arith.addf %slice3A_50, %slice3A_51 : vector<1x8xf32>
    %add3A_53 = arith.constant 1.500000e+01 : f32
    %add3A_54 = vector.broadcast %add3A_53 : f32 to vector<1x8xf32>
    %add3A_55 = arith.addf %add3A_52, %add3A_54 : vector<1x8xf32>
    %mul3A = arith.constant 6.250000e-02 : f32
    %mul3A_56 = vector.broadcast %mul3A : f32 to vector<1x8xf32>
    %mul3A_57 = arith.mulf %add3A_55, %mul3A_56 : vector<1x8xf32>
    %floor3A = math.floor %mul3A_57 : vector<1x8xf32>
    %iota3A_58 = tpu.iota {dimensions = array<i32: 0>} : vector<8x8xi32>
    %iota3A_59 = tpu.iota {dimensions = array<i32: 1>} : vector<8x8xi32>
    %eq3A_60 = arith.cmpi eq, %iota3A_58, %iota3A_59 : vector<8x8xi32>
    %iota3A_61 = tpu.iota {dimensions = array<i32: 0>} : vector<8x8xi32>
    %iota3A_62 = tpu.iota {dimensions = array<i32: 1>} : vector<8x8xi32>
    %le3A_63 = arith.cmpi sle, %iota3A_61, %iota3A_62 : vector<8x8xi32>
    %convert_element_type3A_64 = arith.extui %le3A_63 : vector<8x8xi1> to vector<8x8xi32>
    %convert_element_type3A_65 = arith.sitofp %convert_element_type3A_64 : vector<8x8xi32> to vector<8x8xf32>
    %dot_general3A_66 = arith.constant dense<0.000000e+00> : vector<1x8xf32>
    %dot_general3A_67 = tpu.matmul %floor3A, %convert_element_type3A_65, %dot_general3A_66 {dimension_numbers = #tpu.dot_dimension_numbers<[1], [0], [0], [1], [0, 0, 1, 1], [], []>, transpose_lhs_hint = false} : vector<1x8xf32>, vector<8x8xf32>, vector<1x8xf32> -> vector<1x8xf32>
    %sub3A_68 = arith.subf %dot_general3A_67, %floor3A : vector<1x8xf32>
    %slice3A_69 = vector.extract_strided_slice %dot_general3A_49 {offsets = [0, 0], sizes = [1024, 8], strides = [1, 1]} : vector<1024x16xf32> to vector<1024x8xf32>
    %mul3A_70 = arith.mulf %slice3A_69, %convert_element_type3A_38 : vector<1024x8xf32>
    %reduce_sum3A = arith.constant dense<0.000000e+00> : vector<1024xf32>
    %reduce_sum3A_71 = vector.multi_reduction <add>, %mul3A_70, %reduce_sum3A [1] : vector<1024x8xf32> to vector<1024xf32>
    %broadcast_in_dim3A_72 = vector.shape_cast %reduce_sum3A_71 : vector<1024xf32> to vector<1024x1xf32>
    %sub3A_73 = arith.constant 1.000000e+00 : f32
    %sub3A_74 = vector.broadcast %sub3A_73 : f32 to vector<1024x1xf32>
    %sub3A_75 = arith.subf %broadcast_in_dim3A_72, %sub3A_74 : vector<1024x1xf32>
    %slice3A_76 = vector.extract_strided_slice %slice3A {offsets = [0, 0], sizes = [1, 8], strides = [1, 1]} : vector<1x16xf32> to vector<1x8xf32>
    %slice3A_77 = vector.extract_strided_slice %dot_general3A_49 {offsets = [0, 8], sizes = [1024, 8], strides = [1, 1]} : vector<1024x16xf32> to vector<1024x8xf32>
    %add3A_78 = vector.broadcast %slice3A_76 : vector<1x8xf32> to vector<1024x8xf32>
    %add3A_79 = arith.addf %add3A_78, %slice3A_77 : vector<1024x8xf32>
    %mul3A_80 = arith.mulf %add3A_79, %convert_element_type3A_40 : vector<1024x8xf32>
    %reduce_sum3A_81 = arith.constant dense<0.000000e+00> : vector<1024xf32>
    %reduce_sum3A_82 = vector.multi_reduction <add>, %mul3A_80, %reduce_sum3A_81 [1] : vector<1024x8xf32> to vector<1024xf32>
    %broadcast_in_dim3A_83 = vector.shape_cast %reduce_sum3A_82 : vector<1024xf32> to vector<1024x1xf32>
    %sub3A_84 = arith.constant 1.000000e+00 : f32
    %sub3A_85 = vector.broadcast %sub3A_84 : f32 to vector<1024x1xf32>
    %sub3A_86 = arith.subf %broadcast_in_dim3A_83, %sub3A_85 : vector<1024x1xf32>
    %mul3A_87 = vector.broadcast %sub3A_68 : vector<1x8xf32> to vector<1024x8xf32>
    %mul3A_88 = arith.mulf %mul3A_87, %convert_element_type3A_38 : vector<1024x8xf32>
    %reduce_sum3A_89 = arith.constant dense<0.000000e+00> : vector<1024xf32>
    %reduce_sum3A_90 = vector.multi_reduction <add>, %mul3A_88, %reduce_sum3A_89 [1] : vector<1024x8xf32> to vector<1024xf32>
    %broadcast_in_dim3A_91 = vector.shape_cast %reduce_sum3A_90 : vector<1024xf32> to vector<1024x1xf32>
    %mul3A_92 = vector.broadcast %sub3A_68 : vector<1x8xf32> to vector<1024x8xf32>
    %mul3A_93 = arith.mulf %mul3A_92, %convert_element_type3A_40 : vector<1024x8xf32>
    %reduce_sum3A_94 = arith.constant dense<0.000000e+00> : vector<1024xf32>
    %reduce_sum3A_95 = vector.multi_reduction <add>, %mul3A_93, %reduce_sum3A_94 [1] : vector<1024x8xf32> to vector<1024xf32>
    %broadcast_in_dim3A_96 = vector.shape_cast %reduce_sum3A_95 : vector<1024xf32> to vector<1024x1xf32>
    %mul3A_97 = arith.constant 1.600000e+01 : f32
    %mul3A_98 = vector.broadcast %mul3A_97 : f32 to vector<1024x1xf32>
    %mul3A_99 = arith.mulf %broadcast_in_dim3A_91, %mul3A_98 : vector<1024x1xf32>
    %add3A_100 = arith.addf %mul3A_99, %sub3A_75 : vector<1024x1xf32>
    %convert_element_type3A_101 = arith.fptosi %add3A_100 : vector<1024x1xf32> to vector<1024x1xi32>
    %swap3A_102 = arith.constant 0 : index
    %swap3A_103 = arith.constant 0 : index
    %swap3A_104 = vector.load %arg2[%swap3A_102, %swap3A_103] : memref<1024x1xi32, #tpu.memory_space<vmem>>, vector<1024x1xi32>
    tpu.vector_store %arg2[%swap3A_102, %swap3A_103], %convert_element_type3A_101 {strides = array<i32>} : memref<1024x1xi32, #tpu.memory_space<vmem>>, vector<1024x1xi32>,
    %mul3A_105 = arith.constant 1.600000e+01 : f32
    %mul3A_106 = vector.broadcast %mul3A_105 : f32 to vector<1024x1xf32>
    %mul3A_107 = arith.mulf %broadcast_in_dim3A_96, %mul3A_106 : vector<1024x1xf32>
    %add3A_108 = arith.addf %mul3A_107, %sub3A_86 : vector<1024x1xf32>
    %convert_element_type3A_109 = arith.fptosi %add3A_108 : vector<1024x1xf32> to vector<1024x1xi32>
    %swap3A_110 = arith.constant 0 : index
    %swap3A_111 = arith.constant 0 : index
    %swap3A_112 = vector.load %arg3[%swap3A_110, %swap3A_111] : memref<1024x1xi32, #tpu.memory_space<vmem>>, vector<1024x1xi32>
    tpu.vector_store %arg3[%swap3A_110, %swap3A_111], %convert_element_type3A_109 {strides = array<i32>} : memref<1024x1xi32, #tpu.memory_space<vmem>>, vector<1024x1xi32>,
    %convert_element_type3A_113 = arith.extui %eq3A_60 : vector<8x8xi1> to vector<8x8xi32>
    %convert_element_type3A_114 = arith.sitofp %convert_element_type3A_113 : vector<8x8xi32> to vector<8x8xf32>
    %dot_general3A_115 = arith.constant dense<0.000000e+00> : vector<8x1xf32>
    %dot_general3A_116 = tpu.matmul %convert_element_type3A_114, %dot_general3A_67, %dot_general3A_115 {dimension_numbers = #tpu.dot_dimension_numbers<[1], [1], [0], [0], [0, 0, 1, 0], [], []>, transpose_lhs_hint = false} : vector<8x8xf32>, vector<1x8xf32>, vector<8x1xf32> -> vector<8x1xf32>
    %iota3A_117 = tpu.iota {dimensions = array<i32: 1>} : vector<8x136xi32>
    %convert_element_type3A_118 = arith.sitofp %iota3A_117 : vector<8x136xi32> to vector<8x136xf32>
    %le3A_119 = vector.broadcast %dot_general3A_116 : vector<8x1xf32> to vector<8x136xf32>
    %le3A_120 = arith.cmpf ole, %le3A_119, %convert_element_type3A_118 : vector<8x136xf32>
    %convert_element_type3A_121 = arith.extui %le3A_120 : vector<8x136xi1> to vector<8x136xi32>
    %reduce_sum3A_122 = arith.constant dense<0> : vector<136xi32>
    %reduce_sum3A_123 = vector.multi_reduction <add>, %convert_element_type3A_121, %reduce_sum3A_122 [0] : vector<8x136xi32> to vector<136xi32>
    %broadcast_in_dim3A_124 = vector.shape_cast %reduce_sum3A_123 : vector<136xi32> to vector<1x136xi32>
    %min3A = arith.constant 7 : i32
    %min3A_125 = vector.broadcast %min3A : i32 to vector<1x136xi32>
    %min3A_126 = arith.minsi %broadcast_in_dim3A_124, %min3A_125 : vector<1x136xi32>
    %swap3A_127 = arith.constant 0 : index
    %swap3A_128 = arith.constant 0 : index
    %swap3A_129 = vector.load %arg4[%swap3A_127, %swap3A_128] : memref<1x136xi32, #tpu.memory_space<vmem>>, vector<1x136xi32>
    tpu.vector_store %arg4[%swap3A_127, %swap3A_128], %min3A_126 {strides = array<i32>} : memref<1x136xi32, #tpu.memory_space<vmem>>, vector<1x136xi32>,
    %slice3A_130 = vector.extract_strided_slice %dot_general3A_67 {offsets = [0, 7], sizes = [1, 1], strides = [1, 1]} : vector<1x8xf32> to vector<1x1xf32>
    %convert_element_type3A_131 = arith.fptosi %slice3A_130 : vector<1x1xf32> to vector<1x1xi32>
    %swap3A_132 = arith.constant 0 : index
    %swap3A_133 = arith.constant 0 : index
    %swap3A_134 = vector.load %arg6[%swap3A_132, %swap3A_133] : memref<1x1xi32, #tpu.memory_space<vmem>>, vector<1x1xi32>
    tpu.vector_store %arg6[%swap3A_132, %swap3A_133], %convert_element_type3A_131 {strides = array<i32>} : memref<1x1xi32, #tpu.memory_space<vmem>>, vector<1x1xi32>,
    return
  }
}

module attributes {stable_mosaic.version = 14 : i64} {
  func.func @_expert_body(%arg0: i32, %arg1: memref<136xi32, #tpu.memory_space<smem>>, %arg2: memref<1xi32, #tpu.memory_space<smem>>, %arg3: memref<128x256xf32, #tpu.memory_space<vmem>>, %arg4: memref<1x768x256xf32, #tpu.memory_space<vmem>>, %arg5: memref<1x1x768xf32, #tpu.memory_space<vmem>>, %arg6: memref<1x256x256xf32, #tpu.memory_space<vmem>>, %arg7: memref<1x1x256xf32, #tpu.memory_space<vmem>>, %arg8: memref<1x1x256xf32, #tpu.memory_space<vmem>>, %arg9: memref<1x1x256xf32, #tpu.memory_space<vmem>>, %arg10: memref<1x256x1024xf32, #tpu.memory_space<vmem>>, %arg11: memref<1x1x1024xf32, #tpu.memory_space<vmem>>, %arg12: memref<1x1024x256xf32, #tpu.memory_space<vmem>>, %arg13: memref<1x1x256xf32, #tpu.memory_space<vmem>>, %arg14: memref<1x1x256xf32, #tpu.memory_space<vmem>>, %arg15: memref<1x1x256xf32, #tpu.memory_space<vmem>>, %arg16: memref<128x256xf32, #tpu.memory_space<vmem>>, %arg17: memref<128x256xf32, #tpu.memory_space<vmem>>) attributes {dimension_semantics = [#tpu.dimension_semantics<arbitrary>], iteration_bounds = array<i64: 136>, scalar_prefetch = 2 : i64, scratch_operands = 1 : i64, tpu.core_type = #tpu.core_type<tc>, window_params = [{transform_indices = @transform_0, window_bounds = array<i64: 128, 256>}, {transform_indices = @transform_1, window_bounds = array<i64: 1, 768, 256>}, {transform_indices = @transform_2, window_bounds = array<i64: 1, 1, 768>}, {transform_indices = @transform_3, window_bounds = array<i64: 1, 256, 256>}, {transform_indices = @transform_4, window_bounds = array<i64: 1, 1, 256>}, {transform_indices = @transform_5, window_bounds = array<i64: 1, 1, 256>}, {transform_indices = @transform_6, window_bounds = array<i64: 1, 1, 256>}, {transform_indices = @transform_7, window_bounds = array<i64: 1, 256, 1024>}, {transform_indices = @transform_8, window_bounds = array<i64: 1, 1, 1024>}, {transform_indices = @transform_9, window_bounds = array<i64: 1, 1024, 256>}, {transform_indices = @transform_10, window_bounds = array<i64: 1, 1, 256>}, {transform_indices = @transform_11, window_bounds = array<i64: 1, 1, 256>}, {transform_indices = @transform_12, window_bounds = array<i64: 1, 1, 256>}, {transform_indices = @transform_13, window_bounds = array<i64: 128, 256>}]} {
    %get3A = arith.constant 0 : index
    %get3A_0 = memref.load %arg2[%get3A] : memref<1xi32, #tpu.memory_space<smem>>
    %lt3A = arith.cmpi slt, %arg0, %get3A_0 : i32
    %convert_element_type3A = arith.extui %lt3A : i1 to i32
    %cond3A = arith.constant 0 : i32
    %cond3A_1 = arith.cmpi ne, %convert_element_type3A, %cond3A : i32
    scf.if %cond3A_1 {
      %get3A_2 = arith.constant 0 : index
      %get3A_3 = arith.constant 0 : index
      %get3A_4 = vector.load %arg3[%get3A_2, %get3A_3] : memref<128x256xf32, #tpu.memory_space<vmem>>, vector<128x256xf32>
      %get3A_5 = arith.constant 0 : index
      %get3A_6 = arith.constant 0 : index
      %get3A_7 = arith.constant 0 : index
      %get3A_8 = vector.load %arg4[%get3A_5, %get3A_6, %get3A_7] : memref<1x768x256xf32, #tpu.memory_space<vmem>>, vector<1x768x256xf32>
      %get3A_9 = vector.shape_cast %get3A_8 : vector<1x768x256xf32> to vector<768x256xf32>
      %convert_element_type3A_10 = arith.truncf %get3A_4 : vector<128x256xf32> to vector<128x256xbf16>
      %convert_element_type3A_11 = arith.truncf %get3A_9 : vector<768x256xf32> to vector<768x256xbf16>
      %dot_general3A = arith.constant dense<0.000000e+00> : vector<128x768xf32>
      %dot_general3A_12 = tpu.matmul %convert_element_type3A_10, %convert_element_type3A_11, %dot_general3A {dimension_numbers = #tpu.dot_dimension_numbers<[1], [1], [0], [0], [0, 0, 1, 0], [], []>, transpose_lhs_hint = false} : vector<128x256xbf16>, vector<768x256xbf16>, vector<128x768xf32> -> vector<128x768xf32>
      %get3A_13 = arith.constant 0 : index
      %get3A_14 = arith.constant 0 : index
      %get3A_15 = arith.constant 0 : index
      %get3A_16 = vector.load %arg5[%get3A_13, %get3A_14, %get3A_15] : memref<1x1x768xf32, #tpu.memory_space<vmem>>, vector<1x1x768xf32>
      %get3A_17 = vector.shape_cast %get3A_16 : vector<1x1x768xf32> to vector<1x768xf32>
      %add3A = vector.broadcast %get3A_17 : vector<1x768xf32> to vector<128x768xf32>
      %add3A_18 = arith.addf %dot_general3A_12, %add3A : vector<128x768xf32>
      %iota3A = tpu.iota {dimensions = array<i32: 0>} : vector<128x128xi32>
      %jit3A = arith.constant 8 : i32
      %div3A = vector.broadcast %jit3A : i32 to vector<128x128xi32>
      %div3A_19 = arith.divsi %iota3A, %div3A : vector<128x128xi32>
      %sign3A = arith.constant 0 : i32
      %sign3A_20 = vector.broadcast %sign3A : i32 to vector<128x128xi32>
      %sign3A_21 = arith.cmpi sgt, %iota3A, %sign3A_20 : vector<128x128xi32>
      %sign3A_22 = arith.extui %sign3A_21 : vector<128x128xi1> to vector<128x128xi32>
      %sign3A_23 = arith.constant 0 : i32
      %sign3A_24 = vector.broadcast %sign3A_23 : i32 to vector<128x128xi32>
      %sign3A_25 = arith.cmpi slt, %iota3A, %sign3A_24 : vector<128x128xi32>
      %sign3A_26 = arith.extui %sign3A_25 : vector<128x128xi1> to vector<128x128xi32>
      %sign3A_27 = arith.subi %sign3A_22, %sign3A_26 : vector<128x128xi32>
      %sign3A_28 = arith.constant 0 : i32
      %sign3A_29 = arith.cmpi sgt, %jit3A, %sign3A_28 : i32
      %sign3A_30 = arith.extui %sign3A_29 : i1 to i32
      %sign3A_31 = arith.constant 0 : i32
      %sign3A_32 = arith.cmpi slt, %jit3A, %sign3A_31 : i32
      %sign3A_33 = arith.extui %sign3A_32 : i1 to i32
      %sign3A_34 = arith.subi %sign3A_30, %sign3A_33 : i32
      %ne3A = vector.broadcast %sign3A_34 : i32 to vector<128x128xi32>
      %ne3A_35 = arith.cmpi ne, %sign3A_27, %ne3A : vector<128x128xi32>
      %rem3A = vector.broadcast %jit3A : i32 to vector<128x128xi32>
      %rem3A_36 = arith.remsi %iota3A, %rem3A : vector<128x128xi32>
      %ne3A_37 = arith.constant 0 : i32
      %ne3A_38 = vector.broadcast %ne3A_37 : i32 to vector<128x128xi32>
      %ne3A_39 = arith.cmpi ne, %rem3A_36, %ne3A_38 : vector<128x128xi32>
      %and3A = arith.andi %ne3A_35, %ne3A_39 : vector<128x128xi1>
      %sub3A = arith.constant 1 : i32
      %sub3A_40 = vector.broadcast %sub3A : i32 to vector<128x128xi32>
      %sub3A_41 = arith.subi %div3A_19, %sub3A_40 : vector<128x128xi32>
      %select_n3A = arith.select %and3A, %sub3A_41, %div3A_19 : vector<128x128xi1>, vector<128x128xi32>
      %iota3A_42 = tpu.iota {dimensions = array<i32: 1>} : vector<128x128xi32>
      %jit3A_43 = arith.constant 8 : i32
      %div3A_44 = vector.broadcast %jit3A_43 : i32 to vector<128x128xi32>
      %div3A_45 = arith.divsi %iota3A_42, %div3A_44 : vector<128x128xi32>
      %sign3A_46 = arith.constant 0 : i32
      %sign3A_47 = vector.broadcast %sign3A_46 : i32 to vector<128x128xi32>
      %sign3A_48 = arith.cmpi sgt, %iota3A_42, %sign3A_47 : vector<128x128xi32>
      %sign3A_49 = arith.extui %sign3A_48 : vector<128x128xi1> to vector<128x128xi32>
      %sign3A_50 = arith.constant 0 : i32
      %sign3A_51 = vector.broadcast %sign3A_50 : i32 to vector<128x128xi32>
      %sign3A_52 = arith.cmpi slt, %iota3A_42, %sign3A_51 : vector<128x128xi32>
      %sign3A_53 = arith.extui %sign3A_52 : vector<128x128xi1> to vector<128x128xi32>
      %sign3A_54 = arith.subi %sign3A_49, %sign3A_53 : vector<128x128xi32>
      %sign3A_55 = arith.constant 0 : i32
      %sign3A_56 = arith.cmpi sgt, %jit3A_43, %sign3A_55 : i32
      %sign3A_57 = arith.extui %sign3A_56 : i1 to i32
      %sign3A_58 = arith.constant 0 : i32
      %sign3A_59 = arith.cmpi slt, %jit3A_43, %sign3A_58 : i32
      %sign3A_60 = arith.extui %sign3A_59 : i1 to i32
      %sign3A_61 = arith.subi %sign3A_57, %sign3A_60 : i32
      %ne3A_62 = vector.broadcast %sign3A_61 : i32 to vector<128x128xi32>
      %ne3A_63 = arith.cmpi ne, %sign3A_54, %ne3A_62 : vector<128x128xi32>
      %rem3A_64 = vector.broadcast %jit3A_43 : i32 to vector<128x128xi32>
      %rem3A_65 = arith.remsi %iota3A_42, %rem3A_64 : vector<128x128xi32>
      %ne3A_66 = arith.constant 0 : i32
      %ne3A_67 = vector.broadcast %ne3A_66 : i32 to vector<128x128xi32>
      %ne3A_68 = arith.cmpi ne, %rem3A_65, %ne3A_67 : vector<128x128xi32>
      %and3A_69 = arith.andi %ne3A_63, %ne3A_68 : vector<128x128xi1>
      %sub3A_70 = arith.constant 1 : i32
      %sub3A_71 = vector.broadcast %sub3A_70 : i32 to vector<128x128xi32>
      %sub3A_72 = arith.subi %div3A_45, %sub3A_71 : vector<128x128xi32>
      %select_n3A_73 = arith.select %and3A_69, %sub3A_72, %div3A_45 : vector<128x128xi1>, vector<128x128xi32>
      %eq3A = arith.cmpi eq, %select_n3A, %select_n3A_73 : vector<128x128xi32>
      %slice3A = vector.extract_strided_slice %add3A_18 {offsets = [0, 0], sizes = [128, 256], strides = [1, 1]} : vector<128x768xf32> to vector<128x256xf32>
      %mul3A = arith.constant 1.250000e-01 : f32
      %mul3A_74 = vector.broadcast %mul3A : f32 to vector<128x256xf32>
      %mul3A_75 = arith.mulf %slice3A, %mul3A_74 : vector<128x256xf32>
      %convert_element_type3A_76 = arith.truncf %mul3A_75 : vector<128x256xf32> to vector<128x256xbf16>
      %slice3A_77 = vector.extract_strided_slice %add3A_18 {offsets = [0, 256], sizes = [128, 512], strides = [1, 1]} : vector<128x768xf32> to vector<128x512xf32>
      %convert_element_type3A_78 = arith.truncf %slice3A_77 : vector<128x512xf32> to vector<128x512xbf16>
      %slice3A_79 = vector.extract_strided_slice %convert_element_type3A_76 {offsets = [0, 0], sizes = [128, 64], strides = [1, 1]} : vector<128x256xbf16> to vector<128x64xbf16>
      %slice3A_80 = vector.extract_strided_slice %convert_element_type3A_78 {offsets = [0, 0], sizes = [128, 64], strides = [1, 1]} : vector<128x512xbf16> to vector<128x64xbf16>
      %slice3A_81 = vector.extract_strided_slice %convert_element_type3A_78 {offsets = [0, 256], sizes = [128, 64], strides = [1, 1]} : vector<128x512xbf16> to vector<128x64xbf16>
      %dot_general3A_82 = arith.constant dense<0.000000e+00> : vector<128x128xf32>
      %dot_general3A_83 = tpu.matmul %slice3A_79, %slice3A_80, %dot_general3A_82 {dimension_numbers = #tpu.dot_dimension_numbers<[1], [1], [0], [0], [0, 0, 1, 0], [], []>, transpose_lhs_hint = false} : vector<128x64xbf16>, vector<128x64xbf16>, vector<128x128xf32> -> vector<128x128xf32>
      %jit3A_84 = arith.constant -1.000000e+30 : f32
      %broadcast_in_dim3A = vector.broadcast %jit3A_84 : f32 to vector<128x128xf32>
      %select_n3A_85 = arith.select %eq3A, %dot_general3A_83, %broadcast_in_dim3A : vector<128x128xi1>, vector<128x128xf32>
      %reduce_max3A = arith.constant dense<0xFF800000> : vector<128xf32>
      %reduce_max3A_86 = vector.multi_reduction <maximumf>, %select_n3A_85, %reduce_max3A [1] : vector<128x128xf32> to vector<128xf32>
      %broadcast_in_dim3A_87 = vector.shape_cast %reduce_max3A_86 : vector<128xf32> to vector<128x1xf32>
      %sub3A_88 = vector.broadcast %broadcast_in_dim3A_87 : vector<128x1xf32> to vector<128x128xf32>
      %sub3A_89 = arith.subf %select_n3A_85, %sub3A_88 : vector<128x128xf32>
      %exp3A = math.exp %sub3A_89 : vector<128x128xf32>
      %reduce_sum3A = arith.constant dense<0.000000e+00> : vector<128xf32>
      %reduce_sum3A_90 = vector.multi_reduction <add>, %exp3A, %reduce_sum3A [1] : vector<128x128xf32> to vector<128xf32>
      %broadcast_in_dim3A_91 = vector.shape_cast %reduce_sum3A_90 : vector<128xf32> to vector<128x1xf32>
      %div3A_92 = arith.constant 1.000000e+00 : f32
      %div3A_93 = vector.broadcast %div3A_92 : f32 to vector<128x1xf32>
      %div3A_94 = arith.divf %div3A_93, %broadcast_in_dim3A_91 : vector<128x1xf32>
      %convert_element_type3A_95 = arith.truncf %exp3A : vector<128x128xf32> to vector<128x128xbf16>
      %dot_general3A_96 = arith.constant dense<0.000000e+00> : vector<128x64xf32>
      %dot_general3A_97 = tpu.matmul %convert_element_type3A_95, %slice3A_81, %dot_general3A_96 {dimension_numbers = #tpu.dot_dimension_numbers<[1], [0], [0], [1], [0, 0, 1, 1], [], []>, transpose_lhs_hint = false} : vector<128x128xbf16>, vector<128x64xbf16>, vector<128x64xf32> -> vector<128x64xf32>
      %mul3A_98 = vector.broadcast %div3A_94 : vector<128x1xf32> to vector<128x64xf32>
      %mul3A_99 = arith.mulf %dot_general3A_97, %mul3A_98 : vector<128x64xf32>
      %swap3A = arith.constant 0 : index
      %swap3A_100 = arith.constant 0 : index
      %swap3A_101 = vector.load %arg17[%swap3A, %swap3A_100] : memref<128x256xf32, #tpu.memory_space<vmem>>, vector<128x64xf32>
      tpu.vector_store %arg17[%swap3A, %swap3A_100], %mul3A_99 {strides = array<i32>} : memref<128x256xf32, #tpu.memory_space<vmem>>, vector<128x64xf32>,
      %slice3A_102 = vector.extract_strided_slice %convert_element_type3A_76 {offsets = [0, 64], sizes = [128, 64], strides = [1, 1]} : vector<128x256xbf16> to vector<128x64xbf16>
      %slice3A_103 = vector.extract_strided_slice %convert_element_type3A_78 {offsets = [0, 64], sizes = [128, 64], strides = [1, 1]} : vector<128x512xbf16> to vector<128x64xbf16>
      %slice3A_104 = vector.extract_strided_slice %convert_element_type3A_78 {offsets = [0, 320], sizes = [128, 64], strides = [1, 1]} : vector<128x512xbf16> to vector<128x64xbf16>
      %dot_general3A_105 = arith.constant dense<0.000000e+00> : vector<128x128xf32>
      %dot_general3A_106 = tpu.matmul %slice3A_102, %slice3A_103, %dot_general3A_105 {dimension_numbers = #tpu.dot_dimension_numbers<[1], [1], [0], [0], [0, 0, 1, 0], [], []>, transpose_lhs_hint = false} : vector<128x64xbf16>, vector<128x64xbf16>, vector<128x128xf32> -> vector<128x128xf32>
      %jit3A_107 = arith.constant -1.000000e+30 : f32
      %broadcast_in_dim3A_108 = vector.broadcast %jit3A_107 : f32 to vector<128x128xf32>
      %select_n3A_109 = arith.select %eq3A, %dot_general3A_106, %broadcast_in_dim3A_108 : vector<128x128xi1>, vector<128x128xf32>
      %reduce_max3A_110 = arith.constant dense<0xFF800000> : vector<128xf32>
      %reduce_max3A_111 = vector.multi_reduction <maximumf>, %select_n3A_109, %reduce_max3A_110 [1] : vector<128x128xf32> to vector<128xf32>
      %broadcast_in_dim3A_112 = vector.shape_cast %reduce_max3A_111 : vector<128xf32> to vector<128x1xf32>
      %sub3A_113 = vector.broadcast %broadcast_in_dim3A_112 : vector<128x1xf32> to vector<128x128xf32>
      %sub3A_114 = arith.subf %select_n3A_109, %sub3A_113 : vector<128x128xf32>
      %exp3A_115 = math.exp %sub3A_114 : vector<128x128xf32>
      %reduce_sum3A_116 = arith.constant dense<0.000000e+00> : vector<128xf32>
      %reduce_sum3A_117 = vector.multi_reduction <add>, %exp3A_115, %reduce_sum3A_116 [1] : vector<128x128xf32> to vector<128xf32>
      %broadcast_in_dim3A_118 = vector.shape_cast %reduce_sum3A_117 : vector<128xf32> to vector<128x1xf32>
      %div3A_119 = arith.constant 1.000000e+00 : f32
      %div3A_120 = vector.broadcast %div3A_119 : f32 to vector<128x1xf32>
      %div3A_121 = arith.divf %div3A_120, %broadcast_in_dim3A_118 : vector<128x1xf32>
      %convert_element_type3A_122 = arith.truncf %exp3A_115 : vector<128x128xf32> to vector<128x128xbf16>
      %dot_general3A_123 = arith.constant dense<0.000000e+00> : vector<128x64xf32>
      %dot_general3A_124 = tpu.matmul %convert_element_type3A_122, %slice3A_104, %dot_general3A_123 {dimension_numbers = #tpu.dot_dimension_numbers<[1], [0], [0], [1], [0, 0, 1, 1], [], []>, transpose_lhs_hint = false} : vector<128x128xbf16>, vector<128x64xbf16>, vector<128x64xf32> -> vector<128x64xf32>
      %mul3A_125 = vector.broadcast %div3A_121 : vector<128x1xf32> to vector<128x64xf32>
      %mul3A_126 = arith.mulf %dot_general3A_124, %mul3A_125 : vector<128x64xf32>
      %swap3A_127 = arith.constant 0 : index
      %swap3A_128 = arith.constant 64 : index
      %swap3A_129 = vector.load %arg17[%swap3A_127, %swap3A_128] : memref<128x256xf32, #tpu.memory_space<vmem>>, vector<128x64xf32>
      tpu.vector_store %arg17[%swap3A_127, %swap3A_128], %mul3A_126 {strides = array<i32>} : memref<128x256xf32, #tpu.memory_space<vmem>>, vector<128x64xf32>,
      %slice3A_130 = vector.extract_strided_slice %convert_element_type3A_76 {offsets = [0, 128], sizes = [128, 64], strides = [1, 1]} : vector<128x256xbf16> to vector<128x64xbf16>
      %slice3A_131 = vector.extract_strided_slice %convert_element_type3A_78 {offsets = [0, 128], sizes = [128, 64], strides = [1, 1]} : vector<128x512xbf16> to vector<128x64xbf16>
      %slice3A_132 = vector.extract_strided_slice %convert_element_type3A_78 {offsets = [0, 384], sizes = [128, 64], strides = [1, 1]} : vector<128x512xbf16> to vector<128x64xbf16>
      %dot_general3A_133 = arith.constant dense<0.000000e+00> : vector<128x128xf32>
      %dot_general3A_134 = tpu.matmul %slice3A_130, %slice3A_131, %dot_general3A_133 {dimension_numbers = #tpu.dot_dimension_numbers<[1], [1], [0], [0], [0, 0, 1, 0], [], []>, transpose_lhs_hint = false} : vector<128x64xbf16>, vector<128x64xbf16>, vector<128x128xf32> -> vector<128x128xf32>
      %jit3A_135 = arith.constant -1.000000e+30 : f32
      %broadcast_in_dim3A_136 = vector.broadcast %jit3A_135 : f32 to vector<128x128xf32>
      %select_n3A_137 = arith.select %eq3A, %dot_general3A_134, %broadcast_in_dim3A_136 : vector<128x128xi1>, vector<128x128xf32>
      %reduce_max3A_138 = arith.constant dense<0xFF800000> : vector<128xf32>
      %reduce_max3A_139 = vector.multi_reduction <maximumf>, %select_n3A_137, %reduce_max3A_138 [1] : vector<128x128xf32> to vector<128xf32>
      %broadcast_in_dim3A_140 = vector.shape_cast %reduce_max3A_139 : vector<128xf32> to vector<128x1xf32>
      %sub3A_141 = vector.broadcast %broadcast_in_dim3A_140 : vector<128x1xf32> to vector<128x128xf32>
      %sub3A_142 = arith.subf %select_n3A_137, %sub3A_141 : vector<128x128xf32>
      %exp3A_143 = math.exp %sub3A_142 : vector<128x128xf32>
      %reduce_sum3A_144 = arith.constant dense<0.000000e+00> : vector<128xf32>
      %reduce_sum3A_145 = vector.multi_reduction <add>, %exp3A_143, %reduce_sum3A_144 [1] : vector<128x128xf32> to vector<128xf32>
      %broadcast_in_dim3A_146 = vector.shape_cast %reduce_sum3A_145 : vector<128xf32> to vector<128x1xf32>
      %div3A_147 = arith.constant 1.000000e+00 : f32
      %div3A_148 = vector.broadcast %div3A_147 : f32 to vector<128x1xf32>
      %div3A_149 = arith.divf %div3A_148, %broadcast_in_dim3A_146 : vector<128x1xf32>
      %convert_element_type3A_150 = arith.truncf %exp3A_143 : vector<128x128xf32> to vector<128x128xbf16>
      %dot_general3A_151 = arith.constant dense<0.000000e+00> : vector<128x64xf32>
      %dot_general3A_152 = tpu.matmul %convert_element_type3A_150, %slice3A_132, %dot_general3A_151 {dimension_numbers = #tpu.dot_dimension_numbers<[1], [0], [0], [1], [0, 0, 1, 1], [], []>, transpose_lhs_hint = false} : vector<128x128xbf16>, vector<128x64xbf16>, vector<128x64xf32> -> vector<128x64xf32>
      %mul3A_153 = vector.broadcast %div3A_149 : vector<128x1xf32> to vector<128x64xf32>
      %mul3A_154 = arith.mulf %dot_general3A_152, %mul3A_153 : vector<128x64xf32>
      %swap3A_155 = arith.constant 0 : index
      %swap3A_156 = arith.constant 128 : index
      %swap3A_157 = vector.load %arg17[%swap3A_155, %swap3A_156] : memref<128x256xf32, #tpu.memory_space<vmem>>, vector<128x64xf32>
      tpu.vector_store %arg17[%swap3A_155, %swap3A_156], %mul3A_154 {strides = array<i32>} : memref<128x256xf32, #tpu.memory_space<vmem>>, vector<128x64xf32>,
      %slice3A_158 = vector.extract_strided_slice %convert_element_type3A_76 {offsets = [0, 192], sizes = [128, 64], strides = [1, 1]} : vector<128x256xbf16> to vector<128x64xbf16>
      %slice3A_159 = vector.extract_strided_slice %convert_element_type3A_78 {offsets = [0, 192], sizes = [128, 64], strides = [1, 1]} : vector<128x512xbf16> to vector<128x64xbf16>
      %slice3A_160 = vector.extract_strided_slice %convert_element_type3A_78 {offsets = [0, 448], sizes = [128, 64], strides = [1, 1]} : vector<128x512xbf16> to vector<128x64xbf16>
      %dot_general3A_161 = arith.constant dense<0.000000e+00> : vector<128x128xf32>
      %dot_general3A_162 = tpu.matmul %slice3A_158, %slice3A_159, %dot_general3A_161 {dimension_numbers = #tpu.dot_dimension_numbers<[1], [1], [0], [0], [0, 0, 1, 0], [], []>, transpose_lhs_hint = false} : vector<128x64xbf16>, vector<128x64xbf16>, vector<128x128xf32> -> vector<128x128xf32>
      %jit3A_163 = arith.constant -1.000000e+30 : f32
      %broadcast_in_dim3A_164 = vector.broadcast %jit3A_163 : f32 to vector<128x128xf32>
      %select_n3A_165 = arith.select %eq3A, %dot_general3A_162, %broadcast_in_dim3A_164 : vector<128x128xi1>, vector<128x128xf32>
      %reduce_max3A_166 = arith.constant dense<0xFF800000> : vector<128xf32>
      %reduce_max3A_167 = vector.multi_reduction <maximumf>, %select_n3A_165, %reduce_max3A_166 [1] : vector<128x128xf32> to vector<128xf32>
      %broadcast_in_dim3A_168 = vector.shape_cast %reduce_max3A_167 : vector<128xf32> to vector<128x1xf32>
      %sub3A_169 = vector.broadcast %broadcast_in_dim3A_168 : vector<128x1xf32> to vector<128x128xf32>
      %sub3A_170 = arith.subf %select_n3A_165, %sub3A_169 : vector<128x128xf32>
      %exp3A_171 = math.exp %sub3A_170 : vector<128x128xf32>
      %reduce_sum3A_172 = arith.constant dense<0.000000e+00> : vector<128xf32>
      %reduce_sum3A_173 = vector.multi_reduction <add>, %exp3A_171, %reduce_sum3A_172 [1] : vector<128x128xf32> to vector<128xf32>
      %broadcast_in_dim3A_174 = vector.shape_cast %reduce_sum3A_173 : vector<128xf32> to vector<128x1xf32>
      %div3A_175 = arith.constant 1.000000e+00 : f32
      %div3A_176 = vector.broadcast %div3A_175 : f32 to vector<128x1xf32>
      %div3A_177 = arith.divf %div3A_176, %broadcast_in_dim3A_174 : vector<128x1xf32>
      %convert_element_type3A_178 = arith.truncf %exp3A_171 : vector<128x128xf32> to vector<128x128xbf16>
      %dot_general3A_179 = arith.constant dense<0.000000e+00> : vector<128x64xf32>
      %dot_general3A_180 = tpu.matmul %convert_element_type3A_178, %slice3A_160, %dot_general3A_179 {dimension_numbers = #tpu.dot_dimension_numbers<[1], [0], [0], [1], [0, 0, 1, 1], [], []>, transpose_lhs_hint = false} : vector<128x128xbf16>, vector<128x64xbf16>, vector<128x64xf32> -> vector<128x64xf32>
      %mul3A_181 = vector.broadcast %div3A_177 : vector<128x1xf32> to vector<128x64xf32>
      %mul3A_182 = arith.mulf %dot_general3A_180, %mul3A_181 : vector<128x64xf32>
      %swap3A_183 = arith.constant 0 : index
      %swap3A_184 = arith.constant 192 : index
      %swap3A_185 = vector.load %arg17[%swap3A_183, %swap3A_184] : memref<128x256xf32, #tpu.memory_space<vmem>>, vector<128x64xf32>
      tpu.vector_store %arg17[%swap3A_183, %swap3A_184], %mul3A_182 {strides = array<i32>} : memref<128x256xf32, #tpu.memory_space<vmem>>, vector<128x64xf32>,
      %get3A_186 = arith.constant 0 : index
      %get3A_187 = arith.constant 0 : index
      %get3A_188 = vector.load %arg17[%get3A_186, %get3A_187] : memref<128x256xf32, #tpu.memory_space<vmem>>, vector<128x256xf32>
      %get3A_189 = arith.constant 0 : index
      %get3A_190 = arith.constant 0 : index
      %get3A_191 = arith.constant 0 : index
      %get3A_192 = vector.load %arg6[%get3A_189, %get3A_190, %get3A_191] : memref<1x256x256xf32, #tpu.memory_space<vmem>>, vector<1x256x256xf32>
      %get3A_193 = vector.shape_cast %get3A_192 : vector<1x256x256xf32> to vector<256x256xf32>
      %convert_element_type3A_194 = arith.truncf %get3A_188 : vector<128x256xf32> to vector<128x256xbf16>
      %convert_element_type3A_195 = arith.truncf %get3A_193 : vector<256x256xf32> to vector<256x256xbf16>
      %dot_general3A_196 = arith.constant dense<0.000000e+00> : vector<128x256xf32>
      %dot_general3A_197 = tpu.matmul %convert_element_type3A_194, %convert_element_type3A_195, %dot_general3A_196 {dimension_numbers = #tpu.dot_dimension_numbers<[1], [1], [0], [0], [0, 0, 1, 0], [], []>, transpose_lhs_hint = false} : vector<128x256xbf16>, vector<256x256xbf16>, vector<128x256xf32> -> vector<128x256xf32>
      %get3A_198 = arith.constant 0 : index
      %get3A_199 = arith.constant 0 : index
      %get3A_200 = arith.constant 0 : index
      %get3A_201 = vector.load %arg7[%get3A_198, %get3A_199, %get3A_200] : memref<1x1x256xf32, #tpu.memory_space<vmem>>, vector<1x1x256xf32>
      %get3A_202 = vector.shape_cast %get3A_201 : vector<1x1x256xf32> to vector<1x256xf32>
      %add3A_203 = vector.broadcast %get3A_202 : vector<1x256xf32> to vector<128x256xf32>
      %add3A_204 = arith.addf %dot_general3A_197, %add3A_203 : vector<128x256xf32>
      %add3A_205 = arith.addf %get3A_4, %add3A_204 : vector<128x256xf32>
      %get3A_206 = arith.constant 0 : index
      %get3A_207 = arith.constant 0 : index
      %get3A_208 = arith.constant 0 : index
      %get3A_209 = vector.load %arg8[%get3A_206, %get3A_207, %get3A_208] : memref<1x1x256xf32, #tpu.memory_space<vmem>>, vector<1x1x256xf32>
      %get3A_210 = vector.shape_cast %get3A_209 : vector<1x1x256xf32> to vector<1x256xf32>
      %get3A_211 = arith.constant 0 : index
      %get3A_212 = arith.constant 0 : index
      %get3A_213 = arith.constant 0 : index
      %get3A_214 = vector.load %arg9[%get3A_211, %get3A_212, %get3A_213] : memref<1x1x256xf32, #tpu.memory_space<vmem>>, vector<1x1x256xf32>
      %get3A_215 = vector.shape_cast %get3A_214 : vector<1x1x256xf32> to vector<1x256xf32>
      %reduce_sum3A_216 = arith.constant dense<0.000000e+00> : vector<128xf32>
      %reduce_sum3A_217 = vector.multi_reduction <add>, %add3A_205, %reduce_sum3A_216 [1] : vector<128x256xf32> to vector<128xf32>
      %broadcast_in_dim3A_218 = vector.shape_cast %reduce_sum3A_217 : vector<128xf32> to vector<128x1xf32>
      %div3A_219 = arith.constant 2.560000e+02 : f32
      %div3A_220 = vector.broadcast %div3A_219 : f32 to vector<128x1xf32>
      %div3A_221 = arith.divf %broadcast_in_dim3A_218, %div3A_220 : vector<128x1xf32>
      %sub3A_222 = vector.broadcast %div3A_221 : vector<128x1xf32> to vector<128x256xf32>
      %sub3A_223 = arith.subf %add3A_205, %sub3A_222 : vector<128x256xf32>
      %integer_pow3A = arith.mulf %sub3A_223, %sub3A_223 : vector<128x256xf32>
      %reduce_sum3A_224 = arith.constant dense<0.000000e+00> : vector<128xf32>
      %reduce_sum3A_225 = vector.multi_reduction <add>, %integer_pow3A, %reduce_sum3A_224 [1] : vector<128x256xf32> to vector<128xf32>
      %broadcast_in_dim3A_226 = vector.shape_cast %reduce_sum3A_225 : vector<128xf32> to vector<128x1xf32>
      %div3A_227 = arith.constant 2.560000e+02 : f32
      %div3A_228 = vector.broadcast %div3A_227 : f32 to vector<128x1xf32>
      %div3A_229 = arith.divf %broadcast_in_dim3A_226, %div3A_228 : vector<128x1xf32>
      %sub3A_230 = vector.broadcast %div3A_221 : vector<128x1xf32> to vector<128x256xf32>
      %sub3A_231 = arith.subf %add3A_205, %sub3A_230 : vector<128x256xf32>
      %add3A_232 = arith.constant 9.99999974E-6 : f32
      %add3A_233 = vector.broadcast %add3A_232 : f32 to vector<128x1xf32>
      %add3A_234 = arith.addf %div3A_229, %add3A_233 : vector<128x1xf32>
      %sqrt3A = math.sqrt %add3A_234 : vector<128x1xf32>
      %div3A_235 = vector.broadcast %sqrt3A : vector<128x1xf32> to vector<128x256xf32>
      %div3A_236 = arith.divf %sub3A_231, %div3A_235 : vector<128x256xf32>
      %mul3A_237 = vector.broadcast %get3A_210 : vector<1x256xf32> to vector<128x256xf32>
      %mul3A_238 = arith.mulf %div3A_236, %mul3A_237 : vector<128x256xf32>
      %add3A_239 = vector.broadcast %get3A_215 : vector<1x256xf32> to vector<128x256xf32>
      %add3A_240 = arith.addf %mul3A_238, %add3A_239 : vector<128x256xf32>
      %get3A_241 = arith.constant 0 : index
      %get3A_242 = arith.constant 0 : index
      %get3A_243 = arith.constant 0 : index
      %get3A_244 = vector.load %arg10[%get3A_241, %get3A_242, %get3A_243] : memref<1x256x1024xf32, #tpu.memory_space<vmem>>, vector<1x256x1024xf32>
      %get3A_245 = vector.shape_cast %get3A_244 : vector<1x256x1024xf32> to vector<256x1024xf32>
      %convert_element_type3A_246 = arith.truncf %add3A_240 : vector<128x256xf32> to vector<128x256xbf16>
      %convert_element_type3A_247 = arith.truncf %get3A_245 : vector<256x1024xf32> to vector<256x1024xbf16>
      %dot_general3A_248 = arith.constant dense<0.000000e+00> : vector<128x1024xf32>
      %dot_general3A_249 = tpu.matmul %convert_element_type3A_246, %convert_element_type3A_247, %dot_general3A_248 {dimension_numbers = #tpu.dot_dimension_numbers<[1], [0], [0], [1], [0, 0, 1, 1], [], []>, transpose_lhs_hint = false} : vector<128x256xbf16>, vector<256x1024xbf16>, vector<128x1024xf32> -> vector<128x1024xf32>
      %get3A_250 = arith.constant 0 : index
      %get3A_251 = arith.constant 0 : index
      %get3A_252 = arith.constant 0 : index
      %get3A_253 = vector.load %arg11[%get3A_250, %get3A_251, %get3A_252] : memref<1x1x1024xf32, #tpu.memory_space<vmem>>, vector<1x1x1024xf32>
      %get3A_254 = vector.shape_cast %get3A_253 : vector<1x1x1024xf32> to vector<1x1024xf32>
      %add3A_255 = vector.broadcast %get3A_254 : vector<1x1024xf32> to vector<128x1024xf32>
      %add3A_256 = arith.addf %dot_general3A_249, %add3A_255 : vector<128x1024xf32>
      %max3A = arith.constant 0.000000e+00 : f32
      %max3A_257 = vector.broadcast %max3A : f32 to vector<128x1024xf32>
      %max3A_258 = arith.maximumf %add3A_256, %max3A_257 : vector<128x1024xf32>
      %get3A_259 = arith.constant 0 : index
      %get3A_260 = arith.constant 0 : index
      %get3A_261 = arith.constant 0 : index
      %get3A_262 = vector.load %arg12[%get3A_259, %get3A_260, %get3A_261] : memref<1x1024x256xf32, #tpu.memory_space<vmem>>, vector<1x1024x256xf32>
      %get3A_263 = vector.shape_cast %get3A_262 : vector<1x1024x256xf32> to vector<1024x256xf32>
      %convert_element_type3A_264 = arith.truncf %max3A_258 : vector<128x1024xf32> to vector<128x1024xbf16>
      %convert_element_type3A_265 = arith.truncf %get3A_263 : vector<1024x256xf32> to vector<1024x256xbf16>
      %dot_general3A_266 = arith.constant dense<0.000000e+00> : vector<128x256xf32>
      %dot_general3A_267 = tpu.matmul %convert_element_type3A_264, %convert_element_type3A_265, %dot_general3A_266 {dimension_numbers = #tpu.dot_dimension_numbers<[1], [0], [0], [1], [0, 0, 1, 1], [], []>, transpose_lhs_hint = false} : vector<128x1024xbf16>, vector<1024x256xbf16>, vector<128x256xf32> -> vector<128x256xf32>
      %get3A_268 = arith.constant 0 : index
      %get3A_269 = arith.constant 0 : index
      %get3A_270 = arith.constant 0 : index
      %get3A_271 = vector.load %arg13[%get3A_268, %get3A_269, %get3A_270] : memref<1x1x256xf32, #tpu.memory_space<vmem>>, vector<1x1x256xf32>
      %get3A_272 = vector.shape_cast %get3A_271 : vector<1x1x256xf32> to vector<1x256xf32>
      %add3A_273 = vector.broadcast %get3A_272 : vector<1x256xf32> to vector<128x256xf32>
      %add3A_274 = arith.addf %dot_general3A_267, %add3A_273 : vector<128x256xf32>
      %add3A_275 = arith.addf %add3A_240, %add3A_274 : vector<128x256xf32>
      %get3A_276 = arith.constant 0 : index
      %get3A_277 = arith.constant 0 : index
      %get3A_278 = arith.constant 0 : index
      %get3A_279 = vector.load %arg14[%get3A_276, %get3A_277, %get3A_278] : memref<1x1x256xf32, #tpu.memory_space<vmem>>, vector<1x1x256xf32>
      %get3A_280 = vector.shape_cast %get3A_279 : vector<1x1x256xf32> to vector<1x256xf32>
      %get3A_281 = arith.constant 0 : index
      %get3A_282 = arith.constant 0 : index
      %get3A_283 = arith.constant 0 : index
      %get3A_284 = vector.load %arg15[%get3A_281, %get3A_282, %get3A_283] : memref<1x1x256xf32, #tpu.memory_space<vmem>>, vector<1x1x256xf32>
      %get3A_285 = vector.shape_cast %get3A_284 : vector<1x1x256xf32> to vector<1x256xf32>
      %reduce_sum3A_286 = arith.constant dense<0.000000e+00> : vector<128xf32>
      %reduce_sum3A_287 = vector.multi_reduction <add>, %add3A_275, %reduce_sum3A_286 [1] : vector<128x256xf32> to vector<128xf32>
      %broadcast_in_dim3A_288 = vector.shape_cast %reduce_sum3A_287 : vector<128xf32> to vector<128x1xf32>
      %div3A_289 = arith.constant 2.560000e+02 : f32
      %div3A_290 = vector.broadcast %div3A_289 : f32 to vector<128x1xf32>
      %div3A_291 = arith.divf %broadcast_in_dim3A_288, %div3A_290 : vector<128x1xf32>
      %sub3A_292 = vector.broadcast %div3A_291 : vector<128x1xf32> to vector<128x256xf32>
      %sub3A_293 = arith.subf %add3A_275, %sub3A_292 : vector<128x256xf32>
      %integer_pow3A_294 = arith.mulf %sub3A_293, %sub3A_293 : vector<128x256xf32>
      %reduce_sum3A_295 = arith.constant dense<0.000000e+00> : vector<128xf32>
      %reduce_sum3A_296 = vector.multi_reduction <add>, %integer_pow3A_294, %reduce_sum3A_295 [1] : vector<128x256xf32> to vector<128xf32>
      %broadcast_in_dim3A_297 = vector.shape_cast %reduce_sum3A_296 : vector<128xf32> to vector<128x1xf32>
      %div3A_298 = arith.constant 2.560000e+02 : f32
      %div3A_299 = vector.broadcast %div3A_298 : f32 to vector<128x1xf32>
      %div3A_300 = arith.divf %broadcast_in_dim3A_297, %div3A_299 : vector<128x1xf32>
      %sub3A_301 = vector.broadcast %div3A_291 : vector<128x1xf32> to vector<128x256xf32>
      %sub3A_302 = arith.subf %add3A_275, %sub3A_301 : vector<128x256xf32>
      %add3A_303 = arith.constant 9.99999974E-6 : f32
      %add3A_304 = vector.broadcast %add3A_303 : f32 to vector<128x1xf32>
      %add3A_305 = arith.addf %div3A_300, %add3A_304 : vector<128x1xf32>
      %sqrt3A_306 = math.sqrt %add3A_305 : vector<128x1xf32>
      %div3A_307 = vector.broadcast %sqrt3A_306 : vector<128x1xf32> to vector<128x256xf32>
      %div3A_308 = arith.divf %sub3A_302, %div3A_307 : vector<128x256xf32>
      %mul3A_309 = vector.broadcast %get3A_280 : vector<1x256xf32> to vector<128x256xf32>
      %mul3A_310 = arith.mulf %div3A_308, %mul3A_309 : vector<128x256xf32>
      %add3A_311 = vector.broadcast %get3A_285 : vector<1x256xf32> to vector<128x256xf32>
      %add3A_312 = arith.addf %mul3A_310, %add3A_311 : vector<128x256xf32>
      %swap3A_313 = arith.constant 0 : index
      %swap3A_314 = arith.constant 0 : index
      %swap3A_315 = vector.load %arg16[%swap3A_313, %swap3A_314] : memref<128x256xf32, #tpu.memory_space<vmem>>, vector<128x256xf32>
      tpu.vector_store %arg16[%swap3A_313, %swap3A_314], %add3A_312 {strides = array<i32>} : memref<128x256xf32, #tpu.memory_space<vmem>>, vector<128x256xf32>,
    } else {
    }
    return
  }
  func.func @transform_0(%arg0: i32, %arg1: memref<136xi32, #tpu.memory_space<smem>>, %arg2: memref<1xi32, #tpu.memory_space<smem>>) -> (i32, i32) {
    %c0_i32 = arith.constant 0 : i32
    %c0_i32_0 = arith.constant 0 : i32
    return %arg0, %c0_i32 : i32, i32
  }
  func.func @transform_1(%arg0: i32, %arg1: memref<136xi32, #tpu.memory_space<smem>>, %arg2: memref<1xi32, #tpu.memory_space<smem>>) -> (i32, i32, i32) {
    %get3A = arith.index_cast %arg0 : i32 to index
    %get3A_0 = memref.load %arg1[%get3A] : memref<136xi32, #tpu.memory_space<smem>>
    %c0_i32 = arith.constant 0 : i32
    %c0_i32_1 = arith.constant 0 : i32
    %c0_i32_2 = arith.constant 0 : i32
    return %get3A_0, %c0_i32, %c0_i32_1 : i32, i32, i32
  }
  func.func @transform_2(%arg0: i32, %arg1: memref<136xi32, #tpu.memory_space<smem>>, %arg2: memref<1xi32, #tpu.memory_space<smem>>) -> (i32, i32, i32) {
    %get3A = arith.index_cast %arg0 : i32 to index
    %get3A_0 = memref.load %arg1[%get3A] : memref<136xi32, #tpu.memory_space<smem>>
    %c0_i32 = arith.constant 0 : i32
    %c0_i32_1 = arith.constant 0 : i32
    %c0_i32_2 = arith.constant 0 : i32
    return %get3A_0, %c0_i32, %c0_i32_1 : i32, i32, i32
  }
  func.func @transform_3(%arg0: i32, %arg1: memref<136xi32, #tpu.memory_space<smem>>, %arg2: memref<1xi32, #tpu.memory_space<smem>>) -> (i32, i32, i32) {
    %get3A = arith.index_cast %arg0 : i32 to index
    %get3A_0 = memref.load %arg1[%get3A] : memref<136xi32, #tpu.memory_space<smem>>
    %c0_i32 = arith.constant 0 : i32
    %c0_i32_1 = arith.constant 0 : i32
    %c0_i32_2 = arith.constant 0 : i32
    return %get3A_0, %c0_i32, %c0_i32_1 : i32, i32, i32
  }
  func.func @transform_4(%arg0: i32, %arg1: memref<136xi32, #tpu.memory_space<smem>>, %arg2: memref<1xi32, #tpu.memory_space<smem>>) -> (i32, i32, i32) {
    %get3A = arith.index_cast %arg0 : i32 to index
    %get3A_0 = memref.load %arg1[%get3A] : memref<136xi32, #tpu.memory_space<smem>>
    %c0_i32 = arith.constant 0 : i32
    %c0_i32_1 = arith.constant 0 : i32
    %c0_i32_2 = arith.constant 0 : i32
    return %get3A_0, %c0_i32, %c0_i32_1 : i32, i32, i32
  }
  func.func @transform_5(%arg0: i32, %arg1: memref<136xi32, #tpu.memory_space<smem>>, %arg2: memref<1xi32, #tpu.memory_space<smem>>) -> (i32, i32, i32) {
    %get3A = arith.index_cast %arg0 : i32 to index
    %get3A_0 = memref.load %arg1[%get3A] : memref<136xi32, #tpu.memory_space<smem>>
    %c0_i32 = arith.constant 0 : i32
    %c0_i32_1 = arith.constant 0 : i32
    %c0_i32_2 = arith.constant 0 : i32
    return %get3A_0, %c0_i32, %c0_i32_1 : i32, i32, i32
  }
  func.func @transform_6(%arg0: i32, %arg1: memref<136xi32, #tpu.memory_space<smem>>, %arg2: memref<1xi32, #tpu.memory_space<smem>>) -> (i32, i32, i32) {
    %get3A = arith.index_cast %arg0 : i32 to index
    %get3A_0 = memref.load %arg1[%get3A] : memref<136xi32, #tpu.memory_space<smem>>
    %c0_i32 = arith.constant 0 : i32
    %c0_i32_1 = arith.constant 0 : i32
    %c0_i32_2 = arith.constant 0 : i32
    return %get3A_0, %c0_i32, %c0_i32_1 : i32, i32, i32
  }
  func.func @transform_7(%arg0: i32, %arg1: memref<136xi32, #tpu.memory_space<smem>>, %arg2: memref<1xi32, #tpu.memory_space<smem>>) -> (i32, i32, i32) {
    %get3A = arith.index_cast %arg0 : i32 to index
    %get3A_0 = memref.load %arg1[%get3A] : memref<136xi32, #tpu.memory_space<smem>>
    %c0_i32 = arith.constant 0 : i32
    %c0_i32_1 = arith.constant 0 : i32
    %c0_i32_2 = arith.constant 0 : i32
    return %get3A_0, %c0_i32, %c0_i32_1 : i32, i32, i32
  }
  func.func @transform_8(%arg0: i32, %arg1: memref<136xi32, #tpu.memory_space<smem>>, %arg2: memref<1xi32, #tpu.memory_space<smem>>) -> (i32, i32, i32) {
    %get3A = arith.index_cast %arg0 : i32 to index
    %get3A_0 = memref.load %arg1[%get3A] : memref<136xi32, #tpu.memory_space<smem>>
    %c0_i32 = arith.constant 0 : i32
    %c0_i32_1 = arith.constant 0 : i32
    %c0_i32_2 = arith.constant 0 : i32
    return %get3A_0, %c0_i32, %c0_i32_1 : i32, i32, i32
  }
  func.func @transform_9(%arg0: i32, %arg1: memref<136xi32, #tpu.memory_space<smem>>, %arg2: memref<1xi32, #tpu.memory_space<smem>>) -> (i32, i32, i32) {
    %get3A = arith.index_cast %arg0 : i32 to index
    %get3A_0 = memref.load %arg1[%get3A] : memref<136xi32, #tpu.memory_space<smem>>
    %c0_i32 = arith.constant 0 : i32
    %c0_i32_1 = arith.constant 0 : i32
    %c0_i32_2 = arith.constant 0 : i32
    return %get3A_0, %c0_i32, %c0_i32_1 : i32, i32, i32
  }
  func.func @transform_10(%arg0: i32, %arg1: memref<136xi32, #tpu.memory_space<smem>>, %arg2: memref<1xi32, #tpu.memory_space<smem>>) -> (i32, i32, i32) {
    %get3A = arith.index_cast %arg0 : i32 to index
    %get3A_0 = memref.load %arg1[%get3A] : memref<136xi32, #tpu.memory_space<smem>>
    %c0_i32 = arith.constant 0 : i32
    %c0_i32_1 = arith.constant 0 : i32
    %c0_i32_2 = arith.constant 0 : i32
    return %get3A_0, %c0_i32, %c0_i32_1 : i32, i32, i32
  }
  func.func @transform_11(%arg0: i32, %arg1: memref<136xi32, #tpu.memory_space<smem>>, %arg2: memref<1xi32, #tpu.memory_space<smem>>) -> (i32, i32, i32) {
    %get3A = arith.index_cast %arg0 : i32 to index
    %get3A_0 = memref.load %arg1[%get3A] : memref<136xi32, #tpu.memory_space<smem>>
    %c0_i32 = arith.constant 0 : i32
    %c0_i32_1 = arith.constant 0 : i32
    %c0_i32_2 = arith.constant 0 : i32
    return %get3A_0, %c0_i32, %c0_i32_1 : i32, i32, i32
  }
  func.func @transform_12(%arg0: i32, %arg1: memref<136xi32, #tpu.memory_space<smem>>, %arg2: memref<1xi32, #tpu.memory_space<smem>>) -> (i32, i32, i32) {
    %get3A = arith.index_cast %arg0 : i32 to index
    %get3A_0 = memref.load %arg1[%get3A] : memref<136xi32, #tpu.memory_space<smem>>
    %c0_i32 = arith.constant 0 : i32
    %c0_i32_1 = arith.constant 0 : i32
    %c0_i32_2 = arith.constant 0 : i32
    return %get3A_0, %c0_i32, %c0_i32_1 : i32, i32, i32
  }
  func.func @transform_13(%arg0: i32, %arg1: memref<136xi32, #tpu.memory_space<smem>>, %arg2: memref<1xi32, #tpu.memory_space<smem>>) -> (i32, i32) {
    %c0_i32 = arith.constant 0 : i32
    %c0_i32_0 = arith.constant 0 : i32
    return %arg0, %c0_i32 : i32, i32
  }
}

module attributes {stable_mosaic.version = 14 : i64} {
  func.func @_head_body(%arg0: i32, %arg1: memref<256x2048xf32, #tpu.memory_space<vmem>>, %arg2: memref<256x2048xf32, #tpu.memory_space<vmem>>, %arg3: memref<256x2xf32, #tpu.memory_space<vmem>>, %arg4: memref<2048x512xf32, #tpu.memory_space<vmem>>, %arg5: memref<1x512xf32, #tpu.memory_space<vmem>>, %arg6: memref<512x101xf32, #tpu.memory_space<vmem>>, %arg7: memref<1x101xf32, #tpu.memory_space<vmem>>, %arg8: memref<256x101xf32, #tpu.memory_space<vmem>>) attributes {dimension_semantics = [#tpu.dimension_semantics<arbitrary>], iteration_bounds = array<i64: 4>, scalar_prefetch = 0 : i64, scratch_operands = 0 : i64, tpu.core_type = #tpu.core_type<tc>, window_params = [{transform_indices = @transform_0, window_bounds = array<i64: 256, 2048>}, {transform_indices = @transform_1, window_bounds = array<i64: 256, 2048>}, {transform_indices = @transform_2, window_bounds = array<i64: 256, 2>}, {pipeline_mode = #tpu.pipeline_mode<synchronous>, transform_indices = @transform_3, window_bounds = array<i64: 2048, 512>}, {pipeline_mode = #tpu.pipeline_mode<synchronous>, transform_indices = @transform_4, window_bounds = array<i64: 1, 512>}, {pipeline_mode = #tpu.pipeline_mode<synchronous>, transform_indices = @transform_5, window_bounds = array<i64: 512, 101>}, {pipeline_mode = #tpu.pipeline_mode<synchronous>, transform_indices = @transform_6, window_bounds = array<i64: 1, 101>}, {transform_indices = @transform_7, window_bounds = array<i64: 256, 101>}]} {
    %get3A = arith.constant 0 : index
    %get3A_0 = arith.constant 0 : index
    %get3A_1 = vector.load %arg3[%get3A, %get3A_0] : memref<256x2xf32, #tpu.memory_space<vmem>>, vector<256x2xf32>
    %get3A_2 = arith.constant 0 : index
    %get3A_3 = arith.constant 0 : index
    %get3A_4 = vector.load %arg1[%get3A_2, %get3A_3] : memref<256x2048xf32, #tpu.memory_space<vmem>>, vector<256x2048xf32>
    %slice3A = vector.extract_strided_slice %get3A_1 {offsets = [0, 0], sizes = [256, 1], strides = [1, 1]} : vector<256x2xf32> to vector<256x1xf32>
    %mul3A = vector.broadcast %slice3A : vector<256x1xf32> to vector<256x2048xf32>
    %mul3A_5 = arith.mulf %get3A_4, %mul3A : vector<256x2048xf32>
    %get3A_6 = arith.constant 0 : index
    %get3A_7 = arith.constant 0 : index
    %get3A_8 = vector.load %arg2[%get3A_6, %get3A_7] : memref<256x2048xf32, #tpu.memory_space<vmem>>, vector<256x2048xf32>
    %slice3A_9 = vector.extract_strided_slice %get3A_1 {offsets = [0, 1], sizes = [256, 1], strides = [1, 1]} : vector<256x2xf32> to vector<256x1xf32>
    %mul3A_10 = vector.broadcast %slice3A_9 : vector<256x1xf32> to vector<256x2048xf32>
    %mul3A_11 = arith.mulf %get3A_8, %mul3A_10 : vector<256x2048xf32>
    %add3A = arith.addf %mul3A_5, %mul3A_11 : vector<256x2048xf32>
    %get3A_12 = arith.constant 0 : index
    %get3A_13 = arith.constant 0 : index
    %get3A_14 = vector.load %arg4[%get3A_12, %get3A_13] : memref<2048x512xf32, #tpu.memory_space<vmem>>, vector<2048x512xf32>
    %convert_element_type3A = arith.truncf %add3A : vector<256x2048xf32> to vector<256x2048xbf16>
    %convert_element_type3A_15 = arith.truncf %get3A_14 : vector<2048x512xf32> to vector<2048x512xbf16>
    %dot_general3A = arith.constant dense<0.000000e+00> : vector<256x512xf32>
    %dot_general3A_16 = tpu.matmul %convert_element_type3A, %convert_element_type3A_15, %dot_general3A {dimension_numbers = #tpu.dot_dimension_numbers<[1], [0], [0], [1], [0, 0, 1, 1], [], []>, transpose_lhs_hint = false} : vector<256x2048xbf16>, vector<2048x512xbf16>, vector<256x512xf32> -> vector<256x512xf32>
    %get3A_17 = arith.constant 0 : index
    %get3A_18 = arith.constant 0 : index
    %get3A_19 = vector.load %arg5[%get3A_17, %get3A_18] : memref<1x512xf32, #tpu.memory_space<vmem>>, vector<1x512xf32>
    %add3A_20 = vector.broadcast %get3A_19 : vector<1x512xf32> to vector<256x512xf32>
    %add3A_21 = arith.addf %dot_general3A_16, %add3A_20 : vector<256x512xf32>
    %max3A = arith.constant 0.000000e+00 : f32
    %max3A_22 = vector.broadcast %max3A : f32 to vector<256x512xf32>
    %max3A_23 = arith.maximumf %add3A_21, %max3A_22 : vector<256x512xf32>
    %get3A_24 = arith.constant 0 : index
    %get3A_25 = arith.constant 0 : index
    %get3A_26 = vector.load %arg6[%get3A_24, %get3A_25] : memref<512x101xf32, #tpu.memory_space<vmem>>, vector<512x101xf32>
    %convert_element_type3A_27 = arith.truncf %max3A_23 : vector<256x512xf32> to vector<256x512xbf16>
    %convert_element_type3A_28 = arith.truncf %get3A_26 : vector<512x101xf32> to vector<512x101xbf16>
    %dot_general3A_29 = arith.constant dense<0.000000e+00> : vector<256x101xf32>
    %dot_general3A_30 = tpu.matmul %convert_element_type3A_27, %convert_element_type3A_28, %dot_general3A_29 {dimension_numbers = #tpu.dot_dimension_numbers<[1], [0], [0], [1], [0, 0, 1, 1], [], []>, transpose_lhs_hint = false} : vector<256x512xbf16>, vector<512x101xbf16>, vector<256x101xf32> -> vector<256x101xf32>
    %get3A_31 = arith.constant 0 : index
    %get3A_32 = arith.constant 0 : index
    %get3A_33 = vector.load %arg7[%get3A_31, %get3A_32] : memref<1x101xf32, #tpu.memory_space<vmem>>, vector<1x101xf32>
    %add3A_34 = vector.broadcast %get3A_33 : vector<1x101xf32> to vector<256x101xf32>
    %add3A_35 = arith.addf %dot_general3A_30, %add3A_34 : vector<256x101xf32>
    %swap3A = arith.constant 0 : index
    %swap3A_36 = arith.constant 0 : index
    %swap3A_37 = vector.load %arg8[%swap3A, %swap3A_36] : memref<256x101xf32, #tpu.memory_space<vmem>>, vector<256x101xf32>
    tpu.vector_store %arg8[%swap3A, %swap3A_36], %add3A_35 {strides = array<i32>} : memref<256x101xf32, #tpu.memory_space<vmem>>, vector<256x101xf32>,
    return
  }
  func.func @transform_0(%arg0: i32) -> (i32, i32) {
    %c0_i32 = arith.constant 0 : i32
    %c0_i32_0 = arith.constant 0 : i32
    return %arg0, %c0_i32 : i32, i32
  }
  func.func @transform_1(%arg0: i32) -> (i32, i32) {
    %add3A = arith.constant 4 : i32
    %add3A_0 = arith.addi %arg0, %add3A : i32
    %c0_i32 = arith.constant 0 : i32
    %c0_i32_1 = arith.constant 0 : i32
    return %add3A_0, %c0_i32 : i32, i32
  }
  func.func @transform_2(%arg0: i32) -> (i32, i32) {
    %c0_i32 = arith.constant 0 : i32
    %c0_i32_0 = arith.constant 0 : i32
    return %arg0, %c0_i32 : i32, i32
  }
  func.func @transform_3(%arg0: i32) -> (i32, i32) {
    %c0_i32 = arith.constant 0 : i32
    %c0_i32_0 = arith.constant 0 : i32
    %c0_i32_1 = arith.constant 0 : i32
    return %c0_i32, %c0_i32_0 : i32, i32
  }
  func.func @transform_4(%arg0: i32) -> (i32, i32) {
    %c0_i32 = arith.constant 0 : i32
    %c0_i32_0 = arith.constant 0 : i32
    %c0_i32_1 = arith.constant 0 : i32
    return %c0_i32, %c0_i32_0 : i32, i32
  }
  func.func @transform_5(%arg0: i32) -> (i32, i32) {
    %c0_i32 = arith.constant 0 : i32
    %c0_i32_0 = arith.constant 0 : i32
    %c0_i32_1 = arith.constant 0 : i32
    return %c0_i32, %c0_i32_0 : i32, i32
  }
  func.func @transform_6(%arg0: i32) -> (i32, i32) {
    %c0_i32 = arith.constant 0 : i32
    %c0_i32_0 = arith.constant 0 : i32
    %c0_i32_1 = arith.constant 0 : i32
    return %c0_i32, %c0_i32_0 : i32, i32
  }
  func.func @transform_7(%arg0: i32) -> (i32, i32) {
    %c0_i32 = arith.constant 0 : i32
    %c0_i32_0 = arith.constant 0 : i32
    return %arg0, %c0_i32 : i32, i32
  }
}

</mosaic_0001>

<sc_bundles>
// kernel: kernel.10.cloned.1.call-start
scs
__scs_entry_jumppad:
0x0: {  	(pc) =	sbr.rel $0x88, $3  }
0x1: {  	(tag) =	ssettag $0x0;
	lr =	simm.s32 $0x1  }
0x2: {  	[smem:$0x3F8E] =	sst lr;
	_ =	strace $0xD0000000  }
0x3: {  	_ = 	snop  }
0x4: {  	_ = 	snop  }
0x5: {  	_ = 	snop  }
0x6: {  	_ = 	snop  }
0x7: {  	_ = 	snop  }
__scs_overlays_trampoline_lowered:
0x8: {  	[smem:$0x3F9D] =	sst s0  }
0x9: {  	[smem:$0x3F9E] =	sst s1  }
0xa: {  	[smem:$0x3F9F] =	sst s2  }
0xb: {  	[smem:$0x3FA0] =	sst s3  }
0xc: {  	[smem:$0x3FA1] =	sst s4  }
0xd: {  	[smem:$0x3FA2] =	sst s5  }
0xe: {  	[smem:$0x3FA3] =	sst s6  }
0xf: {  	[smem:$0x3FA4] =	sst s7  }
0x10: {  	[smem:$0x3FA5] =	sst s8  }
0x11: {  	[smem:$0x3FA6] =	sst s9;
	s0 =	simm.s32 @!p0 $0x0  }
0x12: {  	s1 =	sld [smem:$0x3F8C];
	s0 =	simm.s32 @p0 $0x1  }
0x13: {  	[smem:$0x3FA7] =	sst s0;
	s0 =	simm.s32 @!p1 $0x0  }
0x14: {  	s2 =	sld [smem:$0x3F8B];
	s0 =	simm.s32 @p1 $0x1  }
0x15: {  	[smem:$0x3FA8] =	sst s0;
	s0 =	simm.s32 @!p2 $0x0  }
0x16: {  	s3 =	sld [smem:$0x3FDB];
	s0 =	simm.s32 @p2 $0x1  }
0x17: {  	s4 =	simm.s32 $0x1BF5;
	[smem:$0x3FAA] =	sst s0  }
0x18: {  	s0 =	sld [smem:$0x3F8D];
	_ =	swait.ge [sflag:s4], $0x0  }
0x19: {  	s7 =	sld [smem:$0x3F8E]  }
0x1a: {  	s8 =	sadd.s32 $0xFFFFE003, lr  }
0x1b: {  	s9 =	sadd.s32 $0xFFFFFEF7, lr;
	s5 =	simm.s32 $0xFFFFFFFF;
	p2 =	slt.u32 s8, $0xFFFFF086  }
0x1c: {  	p1 =	slt.u32 s9, $0xF7A;
	s5 =	simm.s32 @!p2 $0x0  }
0x1d: {  	s5 =	simm.s32 @p1 $0x1;
	p0 =	seq.s32 s7, s2  }
0x1e: {  	s7 =	smul.u32 @!p0 $0xF7A, s2;
	p2 =	seq.s32 @!p0 s5, $0x0  }
0x1f: {  	s9 =	smul.u32 $0xF7A, s1;
	s8 =	simm.s32 @!p0 $0x1BF5;
	p2 =	por !p2, p0  }
0x20: {  	[sflag:s8] =	ssyncset.s32 @!p0 $0xFFFFF086;
	s6 =	sadd.s32 @!p0 s3, s7;
	s7 =	simm.s32 @!p0 $0x108  }
0x21: {  	s3 =	sadd.s32 s3, s9;
	s6 =	sadd.s32 @!p0 $0x88, s6;
	s7 =	simm.s32 @p2 $0x1082  }
0x22: {  	[simem:s7], [sflag:s8] =	dma.local @!p0 [hbm:s6], $0xF7A  }
0x23: {  	s9 =	sor.u32 $0xD0000000, s2;
	s6 =	simm.s32 $0x108;
	_ =	swait.ge @!p0 [sflag:s8], $0x0  }
0x24: {  	s3 =	sadd.s32 $0x88, s3;
	s6 =	simm.s32 @!p1 $0x1082;
	[sflag:s4] =	ssyncset.s32 $0xFFFFF086  }
0x25: {  	[simem:s6], [sflag:s4] =	dma.local [hbm:s3], $0xF7A  }
0x26: {  	[smem:$0x3F8E] =	sst s1;
	(tag) =	ssettag s2;
	_ =	strace s9  }
0x27: {  	s1 =	sld [smem:$0x3F9E]  }
0x28: {  	s2 =	sld [smem:$0x3F9F]  }
0x29: {  	s4 =	sld [smem:$0x3FA1]  }
0x2a: {  	p0 =	seq.s32 s5, $0x0;
	s5 =	sld [smem:$0x3FA2]  }
0x2b: {  	s6 =	sld [smem:$0x3FA3]  }
0x2c: {  	s7 =	sld [smem:$0x3FA4]  }
0x2d: {  	s3 =	simm.s32 $0x108;
	s8 =	sld [smem:$0x3FA5]  }
0x2e: {  	s3 =	simm.s32 @!p0 $0x1082;
	s9 =	sld [smem:$0x3FA6]  }
0x2f: {  	lr =	sadd.s32 s0, s3;
	s0 =	sld [smem:$0x3F9D]  }
0x30: {  	s3 =	sld [smem:$0x3FA0]  }
0x31: {  	[smem:$0x3FA9] =	sst s10  }
0x32: {  	s10 =	sld [smem:$0x3FA7];
	_ =	sdelay $0x3  }
0x33: {  	p0 =	seq.s32 s10, $0x1;
	s10 =	sld [smem:$0x3FA9];
	_ =	sdelay $0x3  }
0x34: {  	[smem:$0x3FA9] =	sst s10  }
0x35: {  	s10 =	sld [smem:$0x3FA8];
	_ =	sdelay $0x3  }
0x36: {  	p1 =	seq.s32 s10, $0x1;
	s10 =	sld [smem:$0x3FA9];
	_ =	sdelay $0x3  }
0x37: {  	[smem:$0x3FA9] =	sst s10  }
0x38: {  	s10 =	sld [smem:$0x3FAA]  }
0x39: {  	_ = 	snop;
	(pc) =	sbr.ind lr, $3  }
0x3a: {  	_ = 	snop  }
0x3b: {  	_ = 	snop  }
0x3c: {  	p2 =	seq.s32 s10, $0x1;
	s10 =	sld [smem:$0x3FA9]  }
0x3d: {  	_ =	shalt  }
0x3e: {  	_ =	shalt  }
0x3f: {  	_ =	shalt  }
0x40: {  	_ =	shalt  }
0x41: {  	_ =	shalt  }
0x42: {  	_ =	shalt  }
0x43: {  	_ =	shalt  }
0x44: {  	_ =	shalt  }
0x45: {  	_ =	shalt  }
0x46: {  	_ =	shalt  }
0x47: {  	_ =	shalt  }
0x48: {  	_ =	shalt  }
0x49: {  	_ =	shalt  }
0x4a: {  	_ =	shalt  }
0x4b: {  	_ =	shalt  }
0x4c: {  	_ =	shalt  }
0x4d: {  	_ =	shalt  }
0x4e: {  	_ =	shalt  }
0x4f: {  	_ =	shalt  }
0x50: {  	_ =	shalt  }
0x51: {  	_ =	shalt  }
0x52: {  	_ =	shalt  }
0x53: {  	_ =	shalt  }
0x54: {  	_ =	shalt  }
0x55: {  	_ =	shalt  }
0x56: {  	_ =	shalt  }
0x57: {  	_ =	shalt  }
0x58: {  	_ =	shalt  }
0x59: {  	_ =	shalt  }
0x5a: {  	_ =	shalt  }
0x5b: {  	_ =	shalt  }
0x5c: {  	_ =	shalt  }
0x5d: {  	_ =	shalt  }
0x5e: {  	_ =	shalt  }
0x5f: {  	_ =	shalt  }
0x60: {  	_ =	shalt  }
0x61: {  	_ =	shalt  }
0x62: {  	_ =	shalt  }
0x63: {  	_ =	shalt  }
0x64: {  	_ =	shalt  }
0x65: {  	_ =	shalt  }
0x66: {  	_ =	shalt  }
0x67: {  	_ =	shalt  }
0x68: {  	_ =	shalt  }
0x69: {  	_ =	shalt  }
0x6a: {  	_ =	shalt  }
0x6b: {  	_ =	shalt  }
0x6c: {  	_ =	shalt  }
0x6d: {  	_ =	shalt  }
0x6e: {  	_ =	shalt  }
0x6f: {  	_ =	shalt  }
0x70: {  	_ =	shalt  }
0x71: {  	_ =	shalt  }
0x72: {  	_ =	shalt  }
0x73: {  	_ =	shalt  }
0x74: {  	_ =	shalt  }
0x75: {  	_ =	shalt  }
0x76: {  	_ =	shalt  }
0x77: {  	_ =	shalt  }
0x78: {  	_ =	shalt  }
0x79: {  	_ =	shalt  }
0x7a: {  	_ =	shalt  }
0x7b: {  	_ =	shalt  }
0x7c: {  	_ =	shalt  }
0x7d: {  	_ =	shalt  }
0x7e: {  	_ =	shalt  }
0x7f: {  	_ =	shalt  }
0x80: {  	_ =	shalt  }
0x81: {  	_ =	shalt  }
0x82: {  	_ =	shalt  }
0x83: {  	_ =	shalt  }
0x84: {  	_ =	shalt  }
0x85: {  	_ =	shalt  }
0x86: {  	_ =	shalt  }
0x87: {  	_ =	shalt  }
.Lfunc_end0:
.L_simem_size_0:
called_computation.1_lowered:
.L_overlay_start_0:
0x88: {  	s2 =	sld [smem:$0x3FD9]  }
0x89: {  	s3 =	sld [smem:$0x3FFE];
	_ =	sdelay $0x1  }
0x8a: {  	s1 =	srdreg.scid  }
0x8b: {  	s0 =	sand.u32 $0x1, s1  }
0x8c: {  	s17 =	sshll.u32 s0, $0xA;
	s2 =	sadd.s32 s3, s2  }
0x8d: {  	s2 =	sadd.s32 s2, s17  }
0x8e: {  	[smem:$0x3FB5] =	sst s2  }
0x8f: {  	_ = 	snop  }
0x90: {  	s2 =	sld [smem:$0x3FD0];
	(tm) =	ssettm $0x1  }
0x91: {  	s18 =	sld [smem:$0x3FFB];
	_ =	sdelay $0x3  }
0x92: {  	_ =	strace s18  }
0x93: {  	s3 =	sld [smem:$0x3FFC];
	_ =	sdelay $0x3  }
0x94: {  	_ =	strace s3  }
0x95: {  	s3 =	sld [smem:$0x3FFD];
	_ =	sdelay $0x3  }
0x96: {  	_ =	strace s3  }
0x97: {  	_ =	strace $0x8FFFFFFF  }
0x98: {  	s19 =	sld [smem:$0x3FDB];
	_ =	sdelay $0x1  }
0x99: {  	s4 =	simm.s32 $_scs_section_size  }
0x9a: {  	s5 =	simm.s32 $_size__tile_overlayer_lowered;
	s6 =	simm.s32 $_tile_overlayer_lowered  }
0x9b: {  	s22 =	simm.s32 $0x1BFF;
	s21 =	sshll.u32 s6, $0x1;
	s3 =	sadd.s32 s4, s19  }
0x9c: {  	s7 =	simm.s32 $0x0;
	s20 =	sshll.u32 s5, $0x1;
	s5 =	sadd.s32 s21, s3  }
0x9d: {  	[timem:s7], [sflag:s22] =	dma.local [hbm:s5], s20  }
0x9e: {  	_ =	swait.ge [sflag:s22], s20  }
0x9f: {  	s4 =	ssub.s32 $0x0, s20;
	[sflag:s22] =	ssyncset.done $0x0  }
0xa0: {  	[sflag:s22] =	ssyncadd.s32 s4;
	_ =	sdelay $0x1  }
0xa1: {  	s23 =	simm.s32 $0x1B8B  }
0xa2: {  	_ =	swait.ge [sflag:s23], $0x1  }
0xa3: {  	[sflag:s23] =	ssyncset.done $0x0  }
0xa4: {  	s25 =	simm.s32 $0x1B8E;
	s24 =	sld [smem:$0x3FFE];
	[sflag:s23] =	ssyncadd.s32 $0xFFFFFFFF  }
0xa5: {  	s26 =	simm.s32 $execute0_lowered;
	[smem:$0x3FD2] =	sst s25  }
0xa6: {  	s5 =	sshll.u32 s26, $0x1;
	_ =	strace $0x80000049;
	[dreg:$0x1] =	wrdreg $0xFFFFFFFF  }
0xa7: {  	s28 =	simm.s32 $_size_execute0_lowered;
	s3 =	sadd.s32 s3, s5;
	[dreg:$0x0] =	wrdreg $0x0  }
0xa8: {  	s5 =	sshll.u32 s28, $0x1;
	[dreg:$0x2] =	wrdreg s3  }
0xa9: {  	[dreg:$0x3] =	wrdreg s5  }
0xaa: {  	[dreg:$0x4] =	wrdreg $0xC0  }
0xab: {  	_ =	task [dreg:s7], $0x5FFFF  }
0xac: {  	[dreg:$0x1] =	wrdreg $0xFFFFFFFF  }
0xad: {  	[dreg:$0x0] =	wrdreg $0x60  }
0xae: {  	[dreg:$0x2] =	wrdreg s24  }
0xaf: {  	[dreg:$0x3] =	wrdreg s2  }
0xb0: {  	[dreg:$0x4] =	wrdreg $0x9  }
0xb1: {  	_ =	task.clear_ibuf [dreg:s7], $0x5FFFF;
	_ =	strace $0x90000049  }
0xb2: {  	s29 =	simm.s32 $0x9;
	_ =	strace $0x8000004B  }
0xb3: {  	_ =	swait.ge [sflag:s29], $0x1  }
0xb4: {  	[sflag:s29] =	ssyncadd.s32 $0xFFFFFFFF  }
0xb5: {  	_ =	strace $0x9000004B  }
0xb6: {  	_ =	sfence  }
0xb7: {  	s30 =	sld [smem:$0x0];
	_ =	sdelay $0x2  }
0xb8: {  	s31 =	sshll.u32 s1, $0xD;
	s1 =	sshrl.u32 s1, $0x2  }
0xb9: {  	s3 =	sand.u32 $0x4000, s31;
	s1 =	sadd.s32 s1, s30  }
0xba: {  	s0 =	sor.u32 s3, s0;
	s1 =	sshll.u32 s1, $0x11  }
0xbb: {  	s0 =	sor.u32 s1, s0  }
0xbc: {  	s0 =	sadd.s32 $0x8F2B, s0  }
0xbd: {  	[sflag:s0] =	ssyncadd.remote.s32 $0x1  }
0xbe: {  	_ =	sfence.sel $0xFFFF  }
0xbf: {  	[dreg:$0x0] =	wrdreg $0xFFFFFFFF;
	(pc) =	sbr.abs _section_cstart, $3  }
0xc0: {  	[dreg:$0x1] =	wrdreg $0xFFFFFFFF  }
0xc1: {  	_ =	task.clear_ibuf [dreg:s7], $0x2FFFF;
	_ =	strace $0x9FFFFFFF  }
0xc2: {  	(tm) =	ssettm $0x7FFFFFFF  }
0xc3: {  	_ =	shalt  }
tec
execute0_lowered:
.L_overlay_start_1:
0x0: {  	(tag) =	ssettag $0x1  }
0x1: {  	s0 =	rddreg [dreg:$0x0]  }
0x2: {  	s1 =	rddreg [dreg:$0x1];
	s2 =	srdreg.scid  }
0x3: {  	s3 =	stileid.u32;
	s29 =	simm.s32 $0x880;
	s30 =	simm.s32 $0x1080  }
0x4: {  	s31 =	simm.s32 $0x1880;
	s14 =	simm.s32 $0x3080;
	s15 =	simm.s32 $0x3880  }
0x5: {  	s16 =	simm.s32 $0x4080;
	s17 =	simm.s32 $0x4880;
	s18 =	simm.s32 $0x5080  }
0x6: {  	s19 =	simm.s32 $0x5880;
	s20 =	simm.s32 $0x6080;
	s21 =	simm.s32 $0x6880  }
0x7: {  	s22 =	simm.s32 $0x7080;
	s23 =	simm.s32 $0x7880;
	s24 =	simm.s32 $0x8080  }
0x8: {  	s13 =	simm.s32 $0x9080;
	s4 =	sand.u32 $0x1, s2;
	s2 =	simm.s32 $0x0  }
0x9: {  	s3 =	sshll.u32 s3, $0x6;
	s8 =	sadd.s32 $0xCB900, s0;
	s9 =	sadd.s32 $0xCBA00, s0  }
0xa: {  	s5 =	sshll.u32 s4, $0x5;
	[smem:$0x7FF] =	sst s2;
	s4 =	ssub.s32 $0x2, s4  }
0xb: {  	s5 =	sor.u32 s5, s3;
	_ =	strace $0x8000004A;
	s3 =	sadd.s32 $0xCB400, s0  }
0xc: {  	s7 =	sshrl.u32 s4, $0x1;
	s6 =	sshrl.u32 s5, $0x3;
	s5 =	sshll.u32 s5, $0x8  }
0xd: {  	s12 =	ssub.s32 s4, s7;
	s4 =	sadd.s32 $0xCB500, s0;
	s7 =	sadd.s32 $0xCB800, s0  }
0xe: {  	s10 =	sadd.s32 s6, s0;
	s1 =	sadd.s32 s1, s6;
	s11 =	sadd.s32 s5, s0  }
0xf: {  	s5 =	sadd.s32 $0xCB600, s0;
	s6 =	sadd.s32 $0xCB700, s0;
	[dreg:$0x3] =	wrdreg s1  }
0x10: {  	s25 =	sadd.s32 $0x43400, s11;
	s26 =	sadd.s32 $0x43200, s10;
	s10 =	sadd.s32 $0xCBB00, s0  }
0x11: {  	v2 =	vlaneseq.u32;
	s28 =	sadd.s32 $0x83400, s11;
	s11 =	smax.u32 s12, $0x1;
	[dreg:$0x4] =	wrdreg s25  }
0x12: {  	vm0 =	vmmov $0xffff;
	v1 =	vshrl.u32 v2, $0x3;
	s12 =	simm.s32 $0x2;
	s0 =	simm.s32 $0x80;
	[dreg:$0x5] =	wrdreg s26  }
0x13: {  	v0 =	vand.u32 $0x7, v2;
	v2 =	vor.u32 $0x8, v2;
	v1 =	vmul.u32 $0x8, v1;
	[dreg:$0x6] =	wrdreg s28;
	s26 =	simm.s32 $0x1;
	s25 =	simm.s32 $0x8880  }
.LBB2_1:
0x14: {  	s28 =	rddreg [dreg:$0x3]  }
0x15: {  	[tilespmem:s2], [sflag:$0x2] =	stream.linear.gather [hbm4b:s28+s2], $0x20, $0x38;
	[tilespmem:$0x10080] =	vst v63  }
0x16: {  	_ =	swait.ge [sflag:s12], $0x20  }
0x17: {  	[sflag:s12] =	ssyncset.done $0x0  }
0x18: {  	[sflag:s12] =	ssyncadd.s32 $0xFFFFFFE0  }
0x19: {  	v3 =	vld [tilespmem:$0x0];
	_ =	sdelay $0x4  }
0x1a: {  	v4 =	vshll.u32 v3, $0x4  }
0x1b: {  	v3 =	vand.u32 $0x7, v3;
	v4 =	vand.u32 $0xFFFFFF80, v4  }
0x1c: {  	v3 =	vor.u32 v3, v4  }
0x1d: {  	v4 =	vperm.xlane v3, v0;
	_ =	sdelay $0x1  }
0x1e: {  	v4 =	vadd.s32 v1, v4;
	_ =	sdelay $0x4  }
0x1f: {  	[tilespmem:s0], [sflag:$0x1] =	stream.indirect_vreg.gather [hbm4b:s3+s2], $0x80, v4, vm0, $0xb8;
	[tilespmem:$0x10080] =	vst v63  }
0x20: {  	_ = 	snop  }
0x21: {  	[tilespmem:s29], [sflag:$0x1] =	stream.indirect_vreg.gather [hbm4b:s4+s2], $0x80, v4, vm0, $0xb8;
	[tilespmem:$0x10080] =	vst v63  }
0x22: {  	_ = 	snop  }
0x23: {  	[tilespmem:s30], [sflag:$0x1] =	stream.indirect_vreg.gather [hbm4b:s5+s2], $0x80, v4, vm0, $0xb8;
	[tilespmem:$0x10080] =	vst v63  }
0x24: {  	_ = 	snop  }
0x25: {  	[tilespmem:s31], [sflag:$0x1] =	stream.indirect_vreg.gather [hbm4b:s6+s2], $0x80, v4, vm0, $0xb8;
	[tilespmem:$0x10080] =	vst v63  }
0x26: {  	s1 =	simm.s32 $0x2080  }
0x27: {  	[tilespmem:s1], [sflag:$0x1] =	stream.indirect_vreg.gather [hbm4b:s7+s2], $0x80, v4, vm0, $0xb8;
	[tilespmem:$0x10080] =	vst v63  }
0x28: {  	v3 =	vperm.xlane v3, v2;
	s1 =	simm.s32 $0x2880  }
0x29: {  	[tilespmem:s1], [sflag:$0x1] =	stream.indirect_vreg.gather [hbm4b:s8+s2], $0x80, v4, vm0, $0xb8;
	[tilespmem:$0x10080] =	vst v63  }
0x2a: {  	v3 =	vadd.s32 v1, v3  }
0x2b: {  	[tilespmem:s14], [sflag:$0x1] =	stream.indirect_vreg.gather [hbm4b:s9+s2], $0x80, v4, vm0, $0xb8;
	[tilespmem:$0x10080] =	vst v63  }
0x2c: {  	_ = 	snop  }
0x2d: {  	[tilespmem:s15], [sflag:$0x1] =	stream.indirect_vreg.gather [hbm4b:s10+s2], $0x80, v4, vm0, $0xb8;
	[tilespmem:$0x10080] =	vst v63  }
0x2e: {  	_ = 	snop  }
0x2f: {  	[tilespmem:s16], [sflag:$0x1] =	stream.indirect_vreg.gather [hbm4b:s3+s2], $0x80, v3, vm0, $0xb8;
	[tilespmem:$0x10080] =	vst v63  }
0x30: {  	_ = 	snop  }
0x31: {  	[tilespmem:s17], [sflag:$0x1] =	stream.indirect_vreg.gather [hbm4b:s4+s2], $0x80, v3, vm0, $0xb8;
	[tilespmem:$0x10080] =	vst v63  }
0x32: {  	_ = 	snop  }
0x33: {  	[tilespmem:s18], [sflag:$0x1] =	stream.indirect_vreg.gather [hbm4b:s5+s2], $0x80, v3, vm0, $0xb8;
	[tilespmem:$0x10080] =	vst v63  }
0x34: {  	_ = 	snop  }
0x35: {  	[tilespmem:s19], [sflag:$0x1] =	stream.indirect_vreg.gather [hbm4b:s6+s2], $0x80, v3, vm0, $0xb8;
	[tilespmem:$0x10080] =	vst v63  }
0x36: {  	_ = 	snop  }
0x37: {  	[tilespmem:s20], [sflag:$0x1] =	stream.indirect_vreg.gather [hbm4b:s7+s2], $0x80, v3, vm0, $0xb8;
	[tilespmem:$0x10080] =	vst v63  }
0x38: {  	_ = 	snop  }
0x39: {  	[tilespmem:s21], [sflag:$0x1] =	stream.indirect_vreg.gather [hbm4b:s8+s2], $0x80, v3, vm0, $0xb8;
	[tilespmem:$0x10080] =	vst v63  }
0x3a: {  	_ = 	snop  }
0x3b: {  	[tilespmem:s22], [sflag:$0x1] =	stream.indirect_vreg.gather [hbm4b:s9+s2], $0x80, v3, vm0, $0xb8;
	[tilespmem:$0x10080] =	vst v63  }
0x3c: {  	_ = 	snop  }
0x3d: {  	[tilespmem:s23], [sflag:$0x1] =	stream.indirect_vreg.gather [hbm4b:s10+s2], $0x80, v3, vm0, $0xb8;
	[tilespmem:$0x10080] =	vst v63  }
0x3e: {  	v3 =	vld [tilespmem:$0x10];
	_ =	sdelay $0x4  }
0x3f: {  	v61 =	vshll.u32 v3, $0x4  }
0x40: {  	v3 =	vand.u32 $0x7, v3;
	v4 =	vand.u32 $0xFFFFFF80, v61  }
0x41: {  	v3 =	vor.u32 v3, v4  }
0x42: {  	v4 =	vperm.xlane v3, v0;
	_ =	sdelay $0x1  }
0x43: {  	v4 =	vadd.s32 v1, v4;
	_ =	sdelay $0x4  }
0x44: {  	[tilespmem:s24], [sflag:$0x1] =	stream.indirect_vreg.gather [hbm4b:s3+s2], $0x80, v4, vm0, $0xb8;
	[tilespmem:$0x10080] =	vst v63  }
0x45: {  	_ = 	snop  }
0x46: {  	[tilespmem:s25], [sflag:$0x1] =	stream.indirect_vreg.gather [hbm4b:s4+s2], $0x80, v4, vm0, $0xb8;
	[tilespmem:$0x10080] =	vst v63  }
0x47: {  	_ = 	snop  }
0x48: {  	[tilespmem:s13], [sflag:$0x1] =	stream.indirect_vreg.gather [hbm4b:s5+s2], $0x80, v4, vm0, $0xb8;
	[tilespmem:$0x10080] =	vst v63  }
0x49: {  	s28 =	simm.s32 $0x9880  }
0x4a: {  	[tilespmem:s28], [sflag:$0x1] =	stream.indirect_vreg.gather [hbm4b:s6+s2], $0x80, v4, vm0, $0xb8;
	[tilespmem:$0x10080] =	vst v63  }
0x4b: {  	s28 =	simm.s32 $0xA080  }
0x4c: {  	[tilespmem:s28], [sflag:$0x1] =	stream.indirect_vreg.gather [hbm4b:s7+s2], $0x80, v4, vm0, $0xb8;
	[tilespmem:$0x10080] =	vst v63  }
0x4d: {  	v3 =	vperm.xlane v3, v2;
	s28 =	simm.s32 $0xA880  }
0x4e: {  	[tilespmem:s28], [sflag:$0x1] =	stream.indirect_vreg.gather [hbm4b:s8+s2], $0x80, v4, vm0, $0xb8;
	[tilespmem:$0x10080] =	vst v63  }
0x4f: {  	v3 =	vadd.s32 v1, v3;
	s28 =	simm.s32 $0xB080  }
0x50: {  	[tilespmem:s28], [sflag:$0x1] =	stream.indirect_vreg.gather [hbm4b:s9+s2], $0x80, v4, vm0, $0xb8;
	[tilespmem:$0x10080] =	vst v63  }
0x51: {  	s28 =	simm.s32 $0xB880  }
0x52: {  	[tilespmem:s28], [sflag:$0x1] =	stream.indirect_vreg.gather [hbm4b:s10+s2], $0x80, v4, vm0, $0xb8;
	[tilespmem:$0x10080] =	vst v63  }
0x53: {  	s28 =	simm.s32 $0xC080  }
0x54: {  	[tilespmem:s28], [sflag:$0x1] =	stream.indirect_vreg.gather [hbm4b:s3+s2], $0x80, v3, vm0, $0xb8;
	[tilespmem:$0x10080] =	vst v63  }
0x55: {  	s28 =	simm.s32 $0xC880  }
0x56: {  	[tilespmem:s28], [sflag:$0x1] =	stream.indirect_vreg.gather [hbm4b:s4+s2], $0x80, v3, vm0, $0xb8;
	[tilespmem:$0x10080] =	vst v63  }
0x57: {  	s28 =	simm.s32 $0xD080  }
0x58: {  	[tilespmem:s28], [sflag:$0x1] =	stream.indirect_vreg.gather [hbm4b:s5+s2], $0x80, v3, vm0, $0xb8;
	[tilespmem:$0x10080] =	vst v63  }
0x59: {  	s28 =	simm.s32 $0xD880  }
0x5a: {  	[tilespmem:s28], [sflag:$0x1] =	stream.indirect_vreg.gather [hbm4b:s6+s2], $0x80, v3, vm0, $0xb8;
	[tilespmem:$0x10080] =	vst v63  }
0x5b: {  	s28 =	simm.s32 $0xE080  }
0x5c: {  	[tilespmem:s28], [sflag:$0x1] =	stream.indirect_vreg.gather [hbm4b:s7+s2], $0x80, v3, vm0, $0xb8;
	[tilespmem:$0x10080] =	vst v63  }
0x5d: {  	s28 =	simm.s32 $0xE880  }
0x5e: {  	[tilespmem:s28], [sflag:$0x1] =	stream.indirect_vreg.gather [hbm4b:s8+s2], $0x80, v3, vm0, $0xb8;
	[tilespmem:$0x10080] =	vst v63  }
0x5f: {  	s28 =	simm.s32 $0xF080  }
0x60: {  	[tilespmem:s28], [sflag:$0x1] =	stream.indirect_vreg.gather [hbm4b:s9+s2], $0x80, v3, vm0, $0xb8;
	[tilespmem:$0x10080] =	vst v63  }
0x61: {  	s28 =	simm.s32 $0xF880  }
0x62: {  	[tilespmem:s28], [sflag:$0x1] =	stream.indirect_vreg.gather [hbm4b:s10+s2], $0x80, v3, vm0, $0xb8;
	[tilespmem:$0x10080] =	vst v63  }
0x63: {  	_ =	swait.ge [sflag:s26], $0x10000  }
0x64: {  	[sflag:s26] =	ssyncset.done $0x0  }
0x65: {  	s28 =	rddreg [dreg:$0x4];
	[sflag:s26] =	ssyncadd.s32 $0xFFFF0000  }
0x66: {  	[hbm4b:s28+s2] =	stream.linear.scatter [tilespmem:s0], [sflag:$0x2], $0x10000, $0x38;
	[tilespmem:$0x10080] =	vst v63  }
0x67: {  	_ =	swait.ge [sflag:s12], $0x10000  }
0x68: {  	[sflag:s12] =	ssyncset.done $0x0  }
0x69: {  	s28 =	rddreg [dreg:$0x5];
	[sflag:s12] =	ssyncadd.s32 $0xFFFF0000  }
0x6a: {  	[tilespmem:s2], [sflag:$0x2] =	stream.linear.gather [hbm4b:s28+s2], $0x20, $0x38;
	[tilespmem:$0x10080] =	vst v63  }
0x6b: {  	_ =	swait.ge [sflag:s12], $0x20  }
0x6c: {  	[sflag:s12] =	ssyncset.done $0x0  }
0x6d: {  	[sflag:s12] =	ssyncadd.s32 $0xFFFFFFE0  }
0x6e: {  	v3 =	vld [tilespmem:$0x0];
	_ =	sdelay $0x4  }
0x6f: {  	v62 =	vshll.u32 v3, $0x4  }
0x70: {  	v3 =	vand.u32 $0x7, v3;
	v4 =	vand.u32 $0xFFFFFF80, v62  }
0x71: {  	v3 =	vor.u32 v3, v4  }
0x72: {  	v4 =	vperm.xlane v3, v0;
	_ =	sdelay $0x1  }
0x73: {  	v4 =	vadd.s32 v1, v4;
	_ =	sdelay $0x4  }
0x74: {  	[tilespmem:s0], [sflag:$0x1] =	stream.indirect_vreg.gather [hbm4b:s3+s2], $0x80, v4, vm0, $0xb8;
	[tilespmem:$0x10080] =	vst v63  }
0x75: {  	_ = 	snop  }
0x76: {  	[tilespmem:s29], [sflag:$0x1] =	stream.indirect_vreg.gather [hbm4b:s4+s2], $0x80, v4, vm0, $0xb8;
	[tilespmem:$0x10080] =	vst v63  }
0x77: {  	_ = 	snop  }
0x78: {  	[tilespmem:s30], [sflag:$0x1] =	stream.indirect_vreg.gather [hbm4b:s5+s2], $0x80, v4, vm0, $0xb8;
	[tilespmem:$0x10080] =	vst v63  }
0x79: {  	_ = 	snop  }
0x7a: {  	[tilespmem:s31], [sflag:$0x1] =	stream.indirect_vreg.gather [hbm4b:s6+s2], $0x80, v4, vm0, $0xb8;
	[tilespmem:$0x10080] =	vst v63  }
0x7b: {  	s28 =	simm.s32 $0x2080  }
0x7c: {  	[tilespmem:s28], [sflag:$0x1] =	stream.indirect_vreg.gather [hbm4b:s7+s2], $0x80, v4, vm0, $0xb8;
	[tilespmem:$0x10080] =	vst v63  }
0x7d: {  	v3 =	vperm.xlane v3, v2  }
0x7e: {  	[tilespmem:s1], [sflag:$0x1] =	stream.indirect_vreg.gather [hbm4b:s8+s2], $0x80, v4, vm0, $0xb8;
	[tilespmem:$0x10080] =	vst v63  }
0x7f: {  	v3 =	vadd.s32 v1, v3  }
0x80: {  	[tilespmem:s14], [sflag:$0x1] =	stream.indirect_vreg.gather [hbm4b:s9+s2], $0x80, v4, vm0, $0xb8;
	[tilespmem:$0x10080] =	vst v63  }
0x81: {  	_ = 	snop  }
0x82: {  	[tilespmem:s15], [sflag:$0x1] =	stream.indirect_vreg.gather [hbm4b:s10+s2], $0x80, v4, vm0, $0xb8;
	[tilespmem:$0x10080] =	vst v63  }
0x83: {  	_ = 	snop  }
0x84: {  	[tilespmem:s16], [sflag:$0x1] =	stream.indirect_vreg.gather [hbm4b:s3+s2], $0x80, v3, vm0, $0xb8;
	[tilespmem:$0x10080] =	vst v63  }
0x85: {  	_ = 	snop  }
0x86: {  	[tilespmem:s17], [sflag:$0x1] =	stream.indirect_vreg.gather [hbm4b:s4+s2], $0x80, v3, vm0, $0xb8;
	[tilespmem:$0x10080] =	vst v63  }
0x87: {  	_ = 	snop  }
0x88: {  	[tilespmem:s18], [sflag:$0x1] =	stream.indirect_vreg.gather [hbm4b:s5+s2], $0x80, v3, vm0, $0xb8;
	[tilespmem:$0x10080] =	vst v63  }
0x89: {  	_ = 	snop  }
0x8a: {  	[tilespmem:s19], [sflag:$0x1] =	stream.indirect_vreg.gather [hbm4b:s6+s2], $0x80, v3, vm0, $0xb8;
	[tilespmem:$0x10080] =	vst v63  }
0x8b: {  	_ = 	snop  }
0x8c: {  	[tilespmem:s20], [sflag:$0x1] =	stream.indirect_vreg.gather [hbm4b:s7+s2], $0x80, v3, vm0, $0xb8;
	[tilespmem:$0x10080] =	vst v63  }
0x8d: {  	_ = 	snop  }
0x8e: {  	[tilespmem:s21], [sflag:$0x1] =	stream.indirect_vreg.gather [hbm4b:s8+s2], $0x80, v3, vm0, $0xb8;
	[tilespmem:$0x10080] =	vst v63  }
0x8f: {  	_ = 	snop  }
0x90: {  	[tilespmem:s22], [sflag:$0x1] =	stream.indirect_vreg.gather [hbm4b:s9+s2], $0x80, v3, vm0, $0xb8;
	[tilespmem:$0x10080] =	vst v63  }
0x91: {  	_ = 	snop  }
0x92: {  	[tilespmem:s23], [sflag:$0x1] =	stream.indirect_vreg.gather [hbm4b:s10+s2], $0x80, v3, vm0, $0xb8;
	[tilespmem:$0x10080] =	vst v63  }
0x93: {  	v3 =	vld [tilespmem:$0x10];
	_ =	sdelay $0x4  }
0x94: {  	v63 =	vshll.u32 v3, $0x4  }
0x95: {  	v3 =	vand.u32 $0x7, v3;
	v4 =	vand.u32 $0xFFFFFF80, v63  }
0x96: {  	v3 =	vor.u32 v3, v4  }
0x97: {  	v4 =	vperm.xlane v3, v0;
	_ =	sdelay $0x1  }
0x98: {  	v4 =	vadd.s32 v1, v4;
	_ =	sdelay $0x4  }
0x99: {  	[tilespmem:s24], [sflag:$0x1] =	stream.indirect_vreg.gather [hbm4b:s3+s2], $0x80, v4, vm0, $0xb8;
	[tilespmem:$0x10080] =	vst v63  }
0x9a: {  	_ = 	snop  }
0x9b: {  	[tilespmem:s25], [sflag:$0x1] =	stream.indirect_vreg.gather [hbm4b:s4+s2], $0x80, v4, vm0, $0xb8;
	[tilespmem:$0x10080] =	vst v63  }
0x9c: {  	_ = 	snop  }
0x9d: {  	[tilespmem:s13], [sflag:$0x1] =	stream.indirect_vreg.gather [hbm4b:s5+s2], $0x80, v4, vm0, $0xb8;
	[tilespmem:$0x10080] =	vst v63  }
0x9e: {  	s28 =	simm.s32 $0x9880  }
0x9f: {  	[tilespmem:s28], [sflag:$0x1] =	stream.indirect_vreg.gather [hbm4b:s6+s2], $0x80, v4, vm0, $0xb8;
	[tilespmem:$0x10080] =	vst v63  }
0xa0: {  	s28 =	simm.s32 $0xA080  }
0xa1: {  	[tilespmem:s28], [sflag:$0x1] =	stream.indirect_vreg.gather [hbm4b:s7+s2], $0x80, v4, vm0, $0xb8;
	[tilespmem:$0x10080] =	vst v63  }
0xa2: {  	v3 =	vperm.xlane v3, v2;
	s28 =	simm.s32 $0xA880  }
0xa3: {  	[tilespmem:s28], [sflag:$0x1] =	stream.indirect_vreg.gather [hbm4b:s8+s2], $0x80, v4, vm0, $0xb8;
	[tilespmem:$0x10080] =	vst v63  }
0xa4: {  	v3 =	vadd.s32 v1, v3;
	s28 =	simm.s32 $0xB080  }
0xa5: {  	[tilespmem:s28], [sflag:$0x1] =	stream.indirect_vreg.gather [hbm4b:s9+s2], $0x80, v4, vm0, $0xb8;
	[tilespmem:$0x10080] =	vst v63  }
0xa6: {  	s28 =	simm.s32 $0xB880  }
0xa7: {  	[tilespmem:s28], [sflag:$0x1] =	stream.indirect_vreg.gather [hbm4b:s10+s2], $0x80, v4, vm0, $0xb8;
	[tilespmem:$0x10080] =	vst v63  }
0xa8: {  	s28 =	simm.s32 $0xC080  }
0xa9: {  	[tilespmem:s28], [sflag:$0x1] =	stream.indirect_vreg.gather [hbm4b:s3+s2], $0x80, v3, vm0, $0xb8;
	[tilespmem:$0x10080] =	vst v63  }
0xaa: {  	s28 =	simm.s32 $0xC880  }
0xab: {  	[tilespmem:s28], [sflag:$0x1] =	stream.indirect_vreg.gather [hbm4b:s4+s2], $0x80, v3, vm0, $0xb8;
	[tilespmem:$0x10080] =	vst v63  }
0xac: {  	s28 =	simm.s32 $0xD080  }
0xad: {  	[tilespmem:s28], [sflag:$0x1] =	stream.indirect_vreg.gather [hbm4b:s5+s2], $0x80, v3, vm0, $0xb8;
	[tilespmem:$0x10080] =	vst v63  }
0xae: {  	s28 =	simm.s32 $0xD880  }
0xaf: {  	[tilespmem:s28], [sflag:$0x1] =	stream.indirect_vreg.gather [hbm4b:s6+s2], $0x80, v3, vm0, $0xb8;
	[tilespmem:$0x10080] =	vst v63  }
0xb0: {  	s28 =	simm.s32 $0xE080  }
0xb1: {  	[tilespmem:s28], [sflag:$0x1] =	stream.indirect_vreg.gather [hbm4b:s7+s2], $0x80, v3, vm0, $0xb8;
	[tilespmem:$0x10080] =	vst v63  }
0xb2: {  	s28 =	simm.s32 $0xE880  }
0xb3: {  	[tilespmem:s28], [sflag:$0x1] =	stream.indirect_vreg.gather [hbm4b:s8+s2], $0x80, v3, vm0, $0xb8;
	[tilespmem:$0x10080] =	vst v63  }
0xb4: {  	s28 =	simm.s32 $0xF080  }
0xb5: {  	[tilespmem:s28], [sflag:$0x1] =	stream.indirect_vreg.gather [hbm4b:s9+s2], $0x80, v3, vm0, $0xb8;
	[tilespmem:$0x10080] =	vst v63  }
0xb6: {  	s28 =	simm.s32 $0xF880  }
0xb7: {  	[tilespmem:s28], [sflag:$0x1] =	stream.indirect_vreg.gather [hbm4b:s10+s2], $0x80, v3, vm0, $0xb8;
	[tilespmem:$0x10080] =	vst v63  }
0xb8: {  	_ =	swait.ge [sflag:s26], $0x10000  }
0xb9: {  	p0 =	sne.s32 s11, $0x1;
	[sflag:s26] =	ssyncset.done $0x0  }
.Ltmp0:
0xba: {  	s1 =	rddreg [dreg:$0x6];
	[sflag:s26] =	ssyncadd.s32 $0xFFFF0000;
	(pc) =	sbr.rel @p0 .LBB2_1-.Ltmp0, $4  }
0xbb: {  	[hbm4b:s1+s2] =	stream.linear.scatter [tilespmem:s0], [sflag:$0x2], $0x10000, $0x38;
	[tilespmem:$0x10080] =	vst v63  }
0xbc: {  	_ =	swait.ge [sflag:s12], $0x10000  }
0xbd: {  	[sflag:s12] =	ssyncset.done $0x0  }
0xbe: {  	s11 =	sadd.s32 $0xFFFFFFFF, s11;
	[sflag:s12] =	ssyncadd.s32 $0xFFFF0000  }
0xbf: {  	_ =	sfence.sel $0x180000  }
0xc0: {  	[bflag:$0x0] =	sbarrier.arrive $0xFFFF  }
0xc1: {  	_ =	strace $0x9000004A  }
0xc2: {  	s0 =	stileid.u32;
	[bflag:$0x2] =	sbarrier.arrive $0xFFFF  }
0xc3: {  	p0 =	sne.s32 s0, $0x0;
	s0 =	rddreg [dreg:$0x2]  }
0xc4: {  	s0 =	sadd.s32 @!p0 $0x100000, s0  }
0xc5: {  	[sflag:s0] =	ssyncadd.tile.s32 @!p0 $0x1;
	_ =	shalt  }
.Lfunc_end2:
_tile_overlayer_lowered:
.L_overlay_start_2:
0xc6: {  	(tag) =	ssettag $0x2  }
0xc7: {  	s0 =	rddreg [dreg:$0x0];
	s2 =	stileid.u32  }
0xc8: {  	s1 =	rddreg [dreg:$0x1];
	p0 =	sne.s32 s2, $0x0  }
0xc9: {  	s3 =	rddreg [dreg:$0x2];
	[bflag:$0x3] =	sbarrier.arrive $0xFFFF;
	s2 =	simm.s32 @!p0 $0x1C02  }
0xca: {  	[timem:s3], [sflag:s2] =	dma.local @!p0 [hbm:s0], s1  }
0xcb: {  	s0 =	simm.s32 @!p0 $0x2  }
0xcc: {  	_ =	swait.ge @!p0 [sflag:s0], s1  }
0xcd: {  	s1 =	ssub.s32 @!p0 $0x0, s1;
	[sflag:s0] =	ssyncset.done @!p0 $0x0  }
0xce: {  	[sflag:s0] =	ssyncadd.s32 @!p0 s1  }
0xcf: {  	[bflag:$0x3] =	sbarrier.arrive $0xFFFF  }
0xd0: {  	_ =	shalt  }

// kernel: kernel.7.cloned.1.call-start
scs
__scs_entry_jumppad:
0x0: {  	(pc) =	sbr.rel $0x88, $3  }
0x1: {  	(tag) =	ssettag $0x0;
	lr =	simm.s32 $0x1  }
0x2: {  	[smem:$0x3F8E] =	sst lr;
	_ =	strace $0xD0000000  }
0x3: {  	_ = 	snop  }
0x4: {  	_ = 	snop  }
0x5: {  	_ = 	snop  }
0x6: {  	_ = 	snop  }
0x7: {  	_ = 	snop  }
__scs_overlays_trampoline_lowered:
0x8: {  	[smem:$0x3F9D] =	sst s0  }
0x9: {  	[smem:$0x3F9E] =	sst s1  }
0xa: {  	[smem:$0x3F9F] =	sst s2  }
0xb: {  	[smem:$0x3FA0] =	sst s3  }
0xc: {  	[smem:$0x3FA1] =	sst s4  }
0xd: {  	[smem:$0x3FA2] =	sst s5  }
0xe: {  	[smem:$0x3FA3] =	sst s6  }
0xf: {  	[smem:$0x3FA4] =	sst s7  }
0x10: {  	[smem:$0x3FA5] =	sst s8  }
0x11: {  	[smem:$0x3FA6] =	sst s9;
	s0 =	simm.s32 @!p0 $0x0  }
0x12: {  	s1 =	sld [smem:$0x3F8C];
	s0 =	simm.s32 @p0 $0x1  }
0x13: {  	[smem:$0x3FA7] =	sst s0;
	s0 =	simm.s32 @!p1 $0x0  }
0x14: {  	s2 =	sld [smem:$0x3F8B];
	s0 =	simm.s32 @p1 $0x1  }
0x15: {  	[smem:$0x3FA8] =	sst s0;
	s0 =	simm.s32 @!p2 $0x0  }
0x16: {  	s3 =	sld [smem:$0x3FDB];
	s0 =	simm.s32 @p2 $0x1  }
0x17: {  	s4 =	simm.s32 $0x1BF5;
	[smem:$0x3FAA] =	sst s0  }
0x18: {  	s0 =	sld [smem:$0x3F8D];
	_ =	swait.ge [sflag:s4], $0x0  }
0x19: {  	s7 =	sld [smem:$0x3F8E]  }
0x1a: {  	s8 =	sadd.s32 $0xFFFFE003, lr  }
0x1b: {  	s9 =	sadd.s32 $0xFFFFFEF7, lr;
	s5 =	simm.s32 $0xFFFFFFFF;
	p2 =	slt.u32 s8, $0xFFFFF086  }
0x1c: {  	p1 =	slt.u32 s9, $0xF7A;
	s5 =	simm.s32 @!p2 $0x0  }
0x1d: {  	s5 =	simm.s32 @p1 $0x1;
	p0 =	seq.s32 s7, s2  }
0x1e: {  	s7 =	smul.u32 @!p0 $0xF7A, s2;
	p2 =	seq.s32 @!p0 s5, $0x0  }
0x1f: {  	s9 =	smul.u32 $0xF7A, s1;
	s8 =	simm.s32 @!p0 $0x1BF5;
	p2 =	por !p2, p0  }
0x20: {  	[sflag:s8] =	ssyncset.s32 @!p0 $0xFFFFF086;
	s6 =	sadd.s32 @!p0 s3, s7;
	s7 =	simm.s32 @!p0 $0x108  }
0x21: {  	s3 =	sadd.s32 s3, s9;
	s6 =	sadd.s32 @!p0 $0x88, s6;
	s7 =	simm.s32 @p2 $0x1082  }
0x22: {  	[simem:s7], [sflag:s8] =	dma.local @!p0 [hbm:s6], $0xF7A  }
0x23: {  	s9 =	sor.u32 $0xD0000000, s2;
	s6 =	simm.s32 $0x108;
	_ =	swait.ge @!p0 [sflag:s8], $0x0  }
0x24: {  	s3 =	sadd.s32 $0x88, s3;
	s6 =	simm.s32 @!p1 $0x1082;
	[sflag:s4] =	ssyncset.s32 $0xFFFFF086  }
0x25: {  	[simem:s6], [sflag:s4] =	dma.local [hbm:s3], $0xF7A  }
0x26: {  	[smem:$0x3F8E] =	sst s1;
	(tag) =	ssettag s2;
	_ =	strace s9  }
0x27: {  	s1 =	sld [smem:$0x3F9E]  }
0x28: {  	s2 =	sld [smem:$0x3F9F]  }
0x29: {  	s4 =	sld [smem:$0x3FA1]  }
0x2a: {  	p0 =	seq.s32 s5, $0x0;
	s5 =	sld [smem:$0x3FA2]  }
0x2b: {  	s6 =	sld [smem:$0x3FA3]  }
0x2c: {  	s7 =	sld [smem:$0x3FA4]  }
0x2d: {  	s3 =	simm.s32 $0x108;
	s8 =	sld [smem:$0x3FA5]  }
0x2e: {  	s3 =	simm.s32 @!p0 $0x1082;
	s9 =	sld [smem:$0x3FA6]  }
0x2f: {  	lr =	sadd.s32 s0, s3;
	s0 =	sld [smem:$0x3F9D]  }
0x30: {  	s3 =	sld [smem:$0x3FA0]  }
0x31: {  	[smem:$0x3FA9] =	sst s10  }
0x32: {  	s10 =	sld [smem:$0x3FA7];
	_ =	sdelay $0x3  }
0x33: {  	p0 =	seq.s32 s10, $0x1;
	s10 =	sld [smem:$0x3FA9];
	_ =	sdelay $0x3  }
0x34: {  	[smem:$0x3FA9] =	sst s10  }
0x35: {  	s10 =	sld [smem:$0x3FA8];
	_ =	sdelay $0x3  }
0x36: {  	p1 =	seq.s32 s10, $0x1;
	s10 =	sld [smem:$0x3FA9];
	_ =	sdelay $0x3  }
0x37: {  	[smem:$0x3FA9] =	sst s10  }
0x38: {  	s10 =	sld [smem:$0x3FAA]  }
0x39: {  	_ = 	snop;
	(pc) =	sbr.ind lr, $3  }
0x3a: {  	_ = 	snop  }
0x3b: {  	_ = 	snop  }
0x3c: {  	p2 =	seq.s32 s10, $0x1;
	s10 =	sld [smem:$0x3FA9]  }
0x3d: {  	_ =	shalt  }
0x3e: {  	_ =	shalt  }
0x3f: {  	_ =	shalt  }
0x40: {  	_ =	shalt  }
0x41: {  	_ =	shalt  }
0x42: {  	_ =	shalt  }
0x43: {  	_ =	shalt  }
0x44: {  	_ =	shalt  }
0x45: {  	_ =	shalt  }
0x46: {  	_ =	shalt  }
0x47: {  	_ =	shalt  }
0x48: {  	_ =	shalt  }
0x49: {  	_ =	shalt  }
0x4a: {  	_ =	shalt  }
0x4b: {  	_ =	shalt  }
0x4c: {  	_ =	shalt  }
0x4d: {  	_ =	shalt  }
0x4e: {  	_ =	shalt  }
0x4f: {  	_ =	shalt  }
0x50: {  	_ =	shalt  }
0x51: {  	_ =	shalt  }
0x52: {  	_ =	shalt  }
0x53: {  	_ =	shalt  }
0x54: {  	_ =	shalt  }
0x55: {  	_ =	shalt  }
0x56: {  	_ =	shalt  }
0x57: {  	_ =	shalt  }
0x58: {  	_ =	shalt  }
0x59: {  	_ =	shalt  }
0x5a: {  	_ =	shalt  }
0x5b: {  	_ =	shalt  }
0x5c: {  	_ =	shalt  }
0x5d: {  	_ =	shalt  }
0x5e: {  	_ =	shalt  }
0x5f: {  	_ =	shalt  }
0x60: {  	_ =	shalt  }
0x61: {  	_ =	shalt  }
0x62: {  	_ =	shalt  }
0x63: {  	_ =	shalt  }
0x64: {  	_ =	shalt  }
0x65: {  	_ =	shalt  }
0x66: {  	_ =	shalt  }
0x67: {  	_ =	shalt  }
0x68: {  	_ =	shalt  }
0x69: {  	_ =	shalt  }
0x6a: {  	_ =	shalt  }
0x6b: {  	_ =	shalt  }
0x6c: {  	_ =	shalt  }
0x6d: {  	_ =	shalt  }
0x6e: {  	_ =	shalt  }
0x6f: {  	_ =	shalt  }
0x70: {  	_ =	shalt  }
0x71: {  	_ =	shalt  }
0x72: {  	_ =	shalt  }
0x73: {  	_ =	shalt  }
0x74: {  	_ =	shalt  }
0x75: {  	_ =	shalt  }
0x76: {  	_ =	shalt  }
0x77: {  	_ =	shalt  }
0x78: {  	_ =	shalt  }
0x79: {  	_ =	shalt  }
0x7a: {  	_ =	shalt  }
0x7b: {  	_ =	shalt  }
0x7c: {  	_ =	shalt  }
0x7d: {  	_ =	shalt  }
0x7e: {  	_ =	shalt  }
0x7f: {  	_ =	shalt  }
0x80: {  	_ =	shalt  }
0x81: {  	_ =	shalt  }
0x82: {  	_ =	shalt  }
0x83: {  	_ =	shalt  }
0x84: {  	_ =	shalt  }
0x85: {  	_ =	shalt  }
0x86: {  	_ =	shalt  }
0x87: {  	_ =	shalt  }
.Lfunc_end0:
.L_simem_size_0:
called_computation_lowered:
.L_overlay_start_0:
0x88: {  	s2 =	sld [smem:$0x3FD9]  }
0x89: {  	s3 =	sld [smem:$0x3FFE];
	_ =	sdelay $0x1  }
0x8a: {  	s1 =	srdreg.scid  }
0x8b: {  	s0 =	sand.u32 $0x1, s1  }
0x8c: {  	s17 =	sshll.u32 s0, $0xA;
	s2 =	sadd.s32 s3, s2  }
0x8d: {  	s2 =	sadd.s32 s2, s17  }
0x8e: {  	[smem:$0x3FB5] =	sst s2  }
0x8f: {  	_ = 	snop  }
0x90: {  	s2 =	sld [smem:$0x3FD0];
	(tm) =	ssettm $0x1  }
0x91: {  	s18 =	sld [smem:$0x3FFB];
	_ =	sdelay $0x3  }
0x92: {  	_ =	strace s18  }
0x93: {  	s3 =	sld [smem:$0x3FFC];
	_ =	sdelay $0x3  }
0x94: {  	_ =	strace s3  }
0x95: {  	s3 =	sld [smem:$0x3FFD];
	_ =	sdelay $0x3  }
0x96: {  	_ =	strace s3  }
0x97: {  	_ =	strace $0x8FFFFFFF  }
0x98: {  	s19 =	sld [smem:$0x3FDB];
	_ =	sdelay $0x1  }
0x99: {  	s4 =	simm.s32 $_scs_section_size  }
0x9a: {  	s5 =	simm.s32 $_size__tile_overlayer_lowered;
	s6 =	simm.s32 $_tile_overlayer_lowered  }
0x9b: {  	s22 =	simm.s32 $0x1BFF;
	s21 =	sshll.u32 s6, $0x1;
	s3 =	sadd.s32 s4, s19  }
0x9c: {  	s7 =	simm.s32 $0x0;
	s20 =	sshll.u32 s5, $0x1;
	s5 =	sadd.s32 s21, s3  }
0x9d: {  	[timem:s7], [sflag:s22] =	dma.local [hbm:s5], s20  }
0x9e: {  	_ =	swait.ge [sflag:s22], s20  }
0x9f: {  	s4 =	ssub.s32 $0x0, s20;
	[sflag:s22] =	ssyncset.done $0x0  }
0xa0: {  	[sflag:s22] =	ssyncadd.s32 s4;
	_ =	sdelay $0x1  }
0xa1: {  	s23 =	simm.s32 $0x1B8B  }
0xa2: {  	_ =	swait.ge [sflag:s23], $0x1  }
0xa3: {  	[sflag:s23] =	ssyncset.done $0x0  }
0xa4: {  	s25 =	simm.s32 $0x1B8E;
	s24 =	sld [smem:$0x3FFE];
	[sflag:s23] =	ssyncadd.s32 $0xFFFFFFFF  }
0xa5: {  	s26 =	simm.s32 $execute0_lowered;
	[smem:$0x3FD2] =	sst s25  }
0xa6: {  	s5 =	sshll.u32 s26, $0x1;
	_ =	strace $0x80000046;
	[dreg:$0x1] =	wrdreg $0xFFFFFFFF  }
0xa7: {  	s28 =	simm.s32 $_size_execute0_lowered;
	s3 =	sadd.s32 s3, s5;
	[dreg:$0x0] =	wrdreg $0x0  }
0xa8: {  	s5 =	sshll.u32 s28, $0x1;
	[dreg:$0x2] =	wrdreg s3  }
0xa9: {  	[dreg:$0x3] =	wrdreg s5  }
0xaa: {  	[dreg:$0x4] =	wrdreg $0xC0  }
0xab: {  	_ =	task [dreg:s7], $0x5FFFF  }
0xac: {  	[dreg:$0x1] =	wrdreg $0xFFFFFFFF  }
0xad: {  	[dreg:$0x0] =	wrdreg $0x60  }
0xae: {  	[dreg:$0x2] =	wrdreg s24  }
0xaf: {  	[dreg:$0x3] =	wrdreg s2  }
0xb0: {  	[dreg:$0x4] =	wrdreg $0x9  }
0xb1: {  	_ =	task.clear_ibuf [dreg:s7], $0x5FFFF;
	_ =	strace $0x90000046  }
0xb2: {  	s29 =	simm.s32 $0x9;
	_ =	strace $0x80000048  }
0xb3: {  	_ =	swait.ge [sflag:s29], $0x1  }
0xb4: {  	[sflag:s29] =	ssyncadd.s32 $0xFFFFFFFF  }
0xb5: {  	_ =	strace $0x90000048  }
0xb6: {  	_ =	sfence  }
0xb7: {  	s30 =	sld [smem:$0x0];
	_ =	sdelay $0x2  }
0xb8: {  	s31 =	sshll.u32 s1, $0xD;
	s1 =	sshrl.u32 s1, $0x2  }
0xb9: {  	s3 =	sand.u32 $0x4000, s31;
	s1 =	sadd.s32 s1, s30  }
0xba: {  	s0 =	sor.u32 s3, s0;
	s1 =	sshll.u32 s1, $0x11  }
0xbb: {  	s0 =	sor.u32 s1, s0  }
0xbc: {  	s0 =	sadd.s32 $0x8F2B, s0  }
0xbd: {  	[sflag:s0] =	ssyncadd.remote.s32 $0x1  }
0xbe: {  	_ =	sfence.sel $0xFFFF  }
0xbf: {  	[dreg:$0x0] =	wrdreg $0xFFFFFFFF;
	(pc) =	sbr.abs _section_cstart, $3  }
0xc0: {  	[dreg:$0x1] =	wrdreg $0xFFFFFFFF  }
0xc1: {  	_ =	task.clear_ibuf [dreg:s7], $0x2FFFF;
	_ =	strace $0x9FFFFFFF  }
0xc2: {  	(tm) =	ssettm $0x7FFFFFFF  }
0xc3: {  	_ =	shalt  }
tec
execute0_lowered:
.L_overlay_start_1:
0x0: {  	(tag) =	ssettag $0x1  }
0x1: {  	s0 =	rddreg [dreg:$0x0]  }
0x2: {  	s1 =	rddreg [dreg:$0x1];
	s2 =	srdreg.scid  }
0x3: {  	s4 =	stileid.u32;
	s13 =	simm.s32 $0x2;
	s26 =	simm.s32 $0x1  }
0x4: {  	s29 =	simm.s32 $0x880;
	s30 =	simm.s32 $0x1080;
	s31 =	simm.s32 $0x1880  }
0x5: {  	s14 =	simm.s32 $0x3080;
	s15 =	simm.s32 $0x3880;
	s16 =	simm.s32 $0x4080  }
0x6: {  	s17 =	simm.s32 $0x4880;
	s18 =	simm.s32 $0x5080;
	s19 =	simm.s32 $0x5880  }
0x7: {  	s20 =	simm.s32 $0x6080;
	s21 =	simm.s32 $0x6880;
	s22 =	simm.s32 $0x7080  }
0x8: {  	s23 =	simm.s32 $0x7880;
	s24 =	simm.s32 $0x8080;
	s25 =	simm.s32 $0x8880  }
0x9: {  	s3 =	sand.u32 $0x1, s2;
	s2 =	simm.s32 $0x0;
	s4 =	sshll.u32 s4, $0x6  }
0xa: {  	s8 =	sadd.s32 $0x43900, s0;
	s9 =	sadd.s32 $0x43A00, s0;
	s10 =	sadd.s32 $0x43B00, s0  }
0xb: {  	s5 =	sshll.u32 s3, $0x5;
	[smem:$0x7FF] =	sst s2;
	s6 =	ssub.s32 $0x2, s3  }
0xc: {  	s3 =	sadd.s32 $0x43400, s0;
	s4 =	sor.u32 s5, s4;
	_ =	strace $0x80000047  }
0xd: {  	s7 =	sshrl.u32 s6, $0x1;
	s5 =	sshll.u32 s4, $0x8;
	s4 =	sshrl.u32 s4, $0x3  }
0xe: {  	s12 =	ssub.s32 s6, s7;
	s6 =	sadd.s32 $0x43700, s0;
	s7 =	sadd.s32 $0x43800, s0  }
0xf: {  	s5 =	sadd.s32 s5, s0;
	s11 =	sadd.s32 s4, s0;
	s1 =	sadd.s32 s1, s4  }
0x10: {  	v2 =	vlaneseq.u32;
	s4 =	sadd.s32 $0x43500, s0;
	s5 =	sadd.s32 $0x3000, s5;
	[dreg:$0x4] =	wrdreg s1  }
0x11: {  	vm0 =	vmmov $0xffff;
	v1 =	vshrl.u32 v2, $0x3;
	s28 =	sadd.s32 $0x43200, s11;
	s11 =	smax.u32 s12, $0x1;
	[dreg:$0x3] =	wrdreg s5  }
0x12: {  	v0 =	vand.u32 $0x7, v2;
	v2 =	vor.u32 $0x8, v2;
	v1 =	vmul.u32 $0x8, v1;
	s12 =	simm.s32 $0x9080;
	s5 =	sadd.s32 $0x43600, s0;
	[dreg:$0x5] =	wrdreg s28  }
.LBB2_1:
0x13: {  	s28 =	rddreg [dreg:$0x3];
	s0 =	simm.s32 $0x80  }
0x14: {  	[tilespmem:s0], [sflag:$0x2] =	stream.linear.gather [hbm4b:s28+s2], $0x10000, $0x38;
	[tilespmem:$0x10080] =	vst v63  }
0x15: {  	_ =	swait.ge [sflag:s13], $0x10000  }
0x16: {  	[sflag:s13] =	ssyncset.done $0x0  }
0x17: {  	s1 =	rddreg [dreg:$0x4];
	[sflag:s13] =	ssyncadd.s32 $0xFFFF0000  }
0x18: {  	[tilespmem:s2], [sflag:$0x2] =	stream.linear.gather [hbm4b:s1+s2], $0x20, $0x38;
	[tilespmem:$0x10080] =	vst v63  }
0x19: {  	_ =	swait.ge [sflag:s13], $0x20  }
0x1a: {  	[sflag:s13] =	ssyncset.done $0x0  }
0x1b: {  	[sflag:s13] =	ssyncadd.s32 $0xFFFFFFE0  }
0x1c: {  	v3 =	vld [tilespmem:$0x0];
	_ =	sdelay $0x4  }
0x1d: {  	v4 =	vshll.u32 v3, $0x4  }
0x1e: {  	v3 =	vand.u32 $0x7, v3;
	v4 =	vand.u32 $0xFFFFFF80, v4  }
0x1f: {  	v3 =	vor.u32 v3, v4  }
0x20: {  	v4 =	vperm.xlane v3, v0;
	_ =	sdelay $0x1  }
0x21: {  	v4 =	vadd.s32 v1, v4;
	_ =	sdelay $0x4  }
0x22: {  	[hbm4b:s3+s2] =	stream.indirect_vreg.scatter [tilespmem:s0], [sflag:$0x1], $0x80, v4, vm0, $0xb8;
	[tilespmem:$0x10080] =	vst v63  }
0x23: {  	_ = 	snop  }
0x24: {  	[hbm4b:s4+s2] =	stream.indirect_vreg.scatter [tilespmem:s29], [sflag:$0x1], $0x80, v4, vm0, $0xb8;
	[tilespmem:$0x10080] =	vst v63  }
0x25: {  	_ = 	snop  }
0x26: {  	[hbm4b:s5+s2] =	stream.indirect_vreg.scatter [tilespmem:s30], [sflag:$0x1], $0x80, v4, vm0, $0xb8;
	[tilespmem:$0x10080] =	vst v63  }
0x27: {  	_ = 	snop  }
0x28: {  	[hbm4b:s6+s2] =	stream.indirect_vreg.scatter [tilespmem:s31], [sflag:$0x1], $0x80, v4, vm0, $0xb8;
	[tilespmem:$0x10080] =	vst v63  }
0x29: {  	s1 =	simm.s32 $0x2080  }
0x2a: {  	[hbm4b:s7+s2] =	stream.indirect_vreg.scatter [tilespmem:s1], [sflag:$0x1], $0x80, v4, vm0, $0xb8;
	[tilespmem:$0x10080] =	vst v63  }
0x2b: {  	v3 =	vperm.xlane v3, v2;
	s1 =	simm.s32 $0x2880  }
0x2c: {  	[hbm4b:s8+s2] =	stream.indirect_vreg.scatter [tilespmem:s1], [sflag:$0x1], $0x80, v4, vm0, $0xb8;
	[tilespmem:$0x10080] =	vst v63  }
0x2d: {  	v3 =	vadd.s32 v1, v3  }
0x2e: {  	[hbm4b:s9+s2] =	stream.indirect_vreg.scatter [tilespmem:s14], [sflag:$0x1], $0x80, v4, vm0, $0xb8;
	[tilespmem:$0x10080] =	vst v63  }
0x2f: {  	_ = 	snop  }
0x30: {  	[hbm4b:s10+s2] =	stream.indirect_vreg.scatter [tilespmem:s15], [sflag:$0x1], $0x80, v4, vm0, $0xb8;
	[tilespmem:$0x10080] =	vst v63  }
0x31: {  	_ = 	snop  }
0x32: {  	[hbm4b:s3+s2] =	stream.indirect_vreg.scatter [tilespmem:s16], [sflag:$0x1], $0x80, v3, vm0, $0xb8;
	[tilespmem:$0x10080] =	vst v63  }
0x33: {  	_ = 	snop  }
0x34: {  	[hbm4b:s4+s2] =	stream.indirect_vreg.scatter [tilespmem:s17], [sflag:$0x1], $0x80, v3, vm0, $0xb8;
	[tilespmem:$0x10080] =	vst v63  }
0x35: {  	_ = 	snop  }
0x36: {  	[hbm4b:s5+s2] =	stream.indirect_vreg.scatter [tilespmem:s18], [sflag:$0x1], $0x80, v3, vm0, $0xb8;
	[tilespmem:$0x10080] =	vst v63  }
0x37: {  	_ = 	snop  }
0x38: {  	[hbm4b:s6+s2] =	stream.indirect_vreg.scatter [tilespmem:s19], [sflag:$0x1], $0x80, v3, vm0, $0xb8;
	[tilespmem:$0x10080] =	vst v63  }
0x39: {  	_ = 	snop  }
0x3a: {  	[hbm4b:s7+s2] =	stream.indirect_vreg.scatter [tilespmem:s20], [sflag:$0x1], $0x80, v3, vm0, $0xb8;
	[tilespmem:$0x10080] =	vst v63  }
0x3b: {  	_ = 	snop  }
0x3c: {  	[hbm4b:s8+s2] =	stream.indirect_vreg.scatter [tilespmem:s21], [sflag:$0x1], $0x80, v3, vm0, $0xb8;
	[tilespmem:$0x10080] =	vst v63  }
0x3d: {  	_ = 	snop  }
0x3e: {  	[hbm4b:s9+s2] =	stream.indirect_vreg.scatter [tilespmem:s22], [sflag:$0x1], $0x80, v3, vm0, $0xb8;
	[tilespmem:$0x10080] =	vst v63  }
0x3f: {  	_ = 	snop  }
0x40: {  	[hbm4b:s10+s2] =	stream.indirect_vreg.scatter [tilespmem:s23], [sflag:$0x1], $0x80, v3, vm0, $0xb8;
	[tilespmem:$0x10080] =	vst v63  }
0x41: {  	v3 =	vld [tilespmem:$0x10];
	_ =	sdelay $0x4  }
0x42: {  	v61 =	vshll.u32 v3, $0x4  }
0x43: {  	v3 =	vand.u32 $0x7, v3;
	v4 =	vand.u32 $0xFFFFFF80, v61  }
0x44: {  	v3 =	vor.u32 v3, v4  }
0x45: {  	v4 =	vperm.xlane v3, v0;
	_ =	sdelay $0x1  }
0x46: {  	v4 =	vadd.s32 v1, v4;
	_ =	sdelay $0x4  }
0x47: {  	[hbm4b:s3+s2] =	stream.indirect_vreg.scatter [tilespmem:s24], [sflag:$0x1], $0x80, v4, vm0, $0xb8;
	[tilespmem:$0x10080] =	vst v63  }
0x48: {  	_ = 	snop  }
0x49: {  	[hbm4b:s4+s2] =	stream.indirect_vreg.scatter [tilespmem:s25], [sflag:$0x1], $0x80, v4, vm0, $0xb8;
	[tilespmem:$0x10080] =	vst v63  }
0x4a: {  	_ = 	snop  }
0x4b: {  	[hbm4b:s5+s2] =	stream.indirect_vreg.scatter [tilespmem:s12], [sflag:$0x1], $0x80, v4, vm0, $0xb8;
	[tilespmem:$0x10080] =	vst v63  }
0x4c: {  	s28 =	simm.s32 $0x9880  }
0x4d: {  	[hbm4b:s6+s2] =	stream.indirect_vreg.scatter [tilespmem:s28], [sflag:$0x1], $0x80, v4, vm0, $0xb8;
	[tilespmem:$0x10080] =	vst v63  }
0x4e: {  	s28 =	simm.s32 $0xA080  }
0x4f: {  	[hbm4b:s7+s2] =	stream.indirect_vreg.scatter [tilespmem:s28], [sflag:$0x1], $0x80, v4, vm0, $0xb8;
	[tilespmem:$0x10080] =	vst v63  }
0x50: {  	v3 =	vperm.xlane v3, v2;
	s28 =	simm.s32 $0xA880  }
0x51: {  	[hbm4b:s8+s2] =	stream.indirect_vreg.scatter [tilespmem:s28], [sflag:$0x1], $0x80, v4, vm0, $0xb8;
	[tilespmem:$0x10080] =	vst v63  }
0x52: {  	v3 =	vadd.s32 v1, v3;
	s28 =	simm.s32 $0xB080  }
0x53: {  	[hbm4b:s9+s2] =	stream.indirect_vreg.scatter [tilespmem:s28], [sflag:$0x1], $0x80, v4, vm0, $0xb8;
	[tilespmem:$0x10080] =	vst v63  }
0x54: {  	s28 =	simm.s32 $0xB880  }
0x55: {  	[hbm4b:s10+s2] =	stream.indirect_vreg.scatter [tilespmem:s28], [sflag:$0x1], $0x80, v4, vm0, $0xb8;
	[tilespmem:$0x10080] =	vst v63  }
0x56: {  	s28 =	simm.s32 $0xC080  }
0x57: {  	[hbm4b:s3+s2] =	stream.indirect_vreg.scatter [tilespmem:s28], [sflag:$0x1], $0x80, v3, vm0, $0xb8;
	[tilespmem:$0x10080] =	vst v63  }
0x58: {  	s28 =	simm.s32 $0xC880  }
0x59: {  	[hbm4b:s4+s2] =	stream.indirect_vreg.scatter [tilespmem:s28], [sflag:$0x1], $0x80, v3, vm0, $0xb8;
	[tilespmem:$0x10080] =	vst v63  }
0x5a: {  	s28 =	simm.s32 $0xD080  }
0x5b: {  	[hbm4b:s5+s2] =	stream.indirect_vreg.scatter [tilespmem:s28], [sflag:$0x1], $0x80, v3, vm0, $0xb8;
	[tilespmem:$0x10080] =	vst v63  }
0x5c: {  	s28 =	simm.s32 $0xD880  }
0x5d: {  	[hbm4b:s6+s2] =	stream.indirect_vreg.scatter [tilespmem:s28], [sflag:$0x1], $0x80, v3, vm0, $0xb8;
	[tilespmem:$0x10080] =	vst v63  }
0x5e: {  	s28 =	simm.s32 $0xE080  }
0x5f: {  	[hbm4b:s7+s2] =	stream.indirect_vreg.scatter [tilespmem:s28], [sflag:$0x1], $0x80, v3, vm0, $0xb8;
	[tilespmem:$0x10080] =	vst v63  }
0x60: {  	s28 =	simm.s32 $0xE880  }
0x61: {  	[hbm4b:s8+s2] =	stream.indirect_vreg.scatter [tilespmem:s28], [sflag:$0x1], $0x80, v3, vm0, $0xb8;
	[tilespmem:$0x10080] =	vst v63  }
0x62: {  	s28 =	simm.s32 $0xF080  }
0x63: {  	[hbm4b:s9+s2] =	stream.indirect_vreg.scatter [tilespmem:s28], [sflag:$0x1], $0x80, v3, vm0, $0xb8;
	[tilespmem:$0x10080] =	vst v63  }
0x64: {  	s28 =	simm.s32 $0xF880  }
0x65: {  	[hbm4b:s10+s2] =	stream.indirect_vreg.scatter [tilespmem:s28], [sflag:$0x1], $0x80, v3, vm0, $0xb8;
	[tilespmem:$0x10080] =	vst v63  }
0x66: {  	_ =	swait.ge [sflag:s26], $0x10000  }
0x67: {  	[sflag:s26] =	ssyncset.done $0x0  }
0x68: {  	s28 =	rddreg [dreg:$0x5];
	[sflag:s26] =	ssyncadd.s32 $0xFFFF0000  }
0x69: {  	[tilespmem:s2], [sflag:$0x2] =	stream.linear.gather [hbm4b:s28+s2], $0x20, $0x38;
	[tilespmem:$0x10080] =	vst v63  }
0x6a: {  	_ =	swait.ge [sflag:s13], $0x20  }
0x6b: {  	[sflag:s13] =	ssyncset.done $0x0  }
0x6c: {  	[sflag:s13] =	ssyncadd.s32 $0xFFFFFFE0  }
0x6d: {  	v3 =	vld [tilespmem:$0x0];
	_ =	sdelay $0x4  }
0x6e: {  	v62 =	vshll.u32 v3, $0x4  }
0x6f: {  	v3 =	vand.u32 $0x7, v3;
	v4 =	vand.u32 $0xFFFFFF80, v62  }
0x70: {  	v3 =	vor.u32 v3, v4  }
0x71: {  	v4 =	vperm.xlane v3, v0;
	_ =	sdelay $0x1  }
0x72: {  	v4 =	vadd.s32 v1, v4;
	_ =	sdelay $0x4  }
0x73: {  	[hbm4b:s3+s2] =	stream.indirect_vreg.scatter [tilespmem:s0], [sflag:$0x1], $0x80, v4, vm0, $0xb8;
	[tilespmem:$0x10080] =	vst v63  }
0x74: {  	_ = 	snop  }
0x75: {  	[hbm4b:s4+s2] =	stream.indirect_vreg.scatter [tilespmem:s29], [sflag:$0x1], $0x80, v4, vm0, $0xb8;
	[tilespmem:$0x10080] =	vst v63  }
0x76: {  	_ = 	snop  }
0x77: {  	[hbm4b:s5+s2] =	stream.indirect_vreg.scatter [tilespmem:s30], [sflag:$0x1], $0x80, v4, vm0, $0xb8;
	[tilespmem:$0x10080] =	vst v63  }
0x78: {  	_ = 	snop  }
0x79: {  	[hbm4b:s6+s2] =	stream.indirect_vreg.scatter [tilespmem:s31], [sflag:$0x1], $0x80, v4, vm0, $0xb8;
	[tilespmem:$0x10080] =	vst v63  }
0x7a: {  	s28 =	simm.s32 $0x2080  }
0x7b: {  	[hbm4b:s7+s2] =	stream.indirect_vreg.scatter [tilespmem:s28], [sflag:$0x1], $0x80, v4, vm0, $0xb8;
	[tilespmem:$0x10080] =	vst v63  }
0x7c: {  	v3 =	vperm.xlane v3, v2  }
0x7d: {  	[hbm4b:s8+s2] =	stream.indirect_vreg.scatter [tilespmem:s1], [sflag:$0x1], $0x80, v4, vm0, $0xb8;
	[tilespmem:$0x10080] =	vst v63  }
0x7e: {  	v3 =	vadd.s32 v1, v3  }
0x7f: {  	[hbm4b:s9+s2] =	stream.indirect_vreg.scatter [tilespmem:s14], [sflag:$0x1], $0x80, v4, vm0, $0xb8;
	[tilespmem:$0x10080] =	vst v63  }
0x80: {  	_ = 	snop  }
0x81: {  	[hbm4b:s10+s2] =	stream.indirect_vreg.scatter [tilespmem:s15], [sflag:$0x1], $0x80, v4, vm0, $0xb8;
	[tilespmem:$0x10080] =	vst v63  }
0x82: {  	_ = 	snop  }
0x83: {  	[hbm4b:s3+s2] =	stream.indirect_vreg.scatter [tilespmem:s16], [sflag:$0x1], $0x80, v3, vm0, $0xb8;
	[tilespmem:$0x10080] =	vst v63  }
0x84: {  	_ = 	snop  }
0x85: {  	[hbm4b:s4+s2] =	stream.indirect_vreg.scatter [tilespmem:s17], [sflag:$0x1], $0x80, v3, vm0, $0xb8;
	[tilespmem:$0x10080] =	vst v63  }
0x86: {  	_ = 	snop  }
0x87: {  	[hbm4b:s5+s2] =	stream.indirect_vreg.scatter [tilespmem:s18], [sflag:$0x1], $0x80, v3, vm0, $0xb8;
	[tilespmem:$0x10080] =	vst v63  }
0x88: {  	_ = 	snop  }
0x89: {  	[hbm4b:s6+s2] =	stream.indirect_vreg.scatter [tilespmem:s19], [sflag:$0x1], $0x80, v3, vm0, $0xb8;
	[tilespmem:$0x10080] =	vst v63  }
0x8a: {  	_ = 	snop  }
0x8b: {  	[hbm4b:s7+s2] =	stream.indirect_vreg.scatter [tilespmem:s20], [sflag:$0x1], $0x80, v3, vm0, $0xb8;
	[tilespmem:$0x10080] =	vst v63  }
0x8c: {  	_ = 	snop  }
0x8d: {  	[hbm4b:s8+s2] =	stream.indirect_vreg.scatter [tilespmem:s21], [sflag:$0x1], $0x80, v3, vm0, $0xb8;
	[tilespmem:$0x10080] =	vst v63  }
0x8e: {  	_ = 	snop  }
0x8f: {  	[hbm4b:s9+s2] =	stream.indirect_vreg.scatter [tilespmem:s22], [sflag:$0x1], $0x80, v3, vm0, $0xb8;
	[tilespmem:$0x10080] =	vst v63  }
0x90: {  	_ = 	snop  }
0x91: {  	[hbm4b:s10+s2] =	stream.indirect_vreg.scatter [tilespmem:s23], [sflag:$0x1], $0x80, v3, vm0, $0xb8;
	[tilespmem:$0x10080] =	vst v63  }
0x92: {  	v3 =	vld [tilespmem:$0x10];
	_ =	sdelay $0x4  }
0x93: {  	v63 =	vshll.u32 v3, $0x4  }
0x94: {  	v3 =	vand.u32 $0x7, v3;
	v4 =	vand.u32 $0xFFFFFF80, v63  }
0x95: {  	v3 =	vor.u32 v3, v4  }
0x96: {  	v4 =	vperm.xlane v3, v0;
	_ =	sdelay $0x1  }
0x97: {  	v4 =	vadd.s32 v1, v4;
	_ =	sdelay $0x4  }
0x98: {  	[hbm4b:s3+s2] =	stream.indirect_vreg.scatter [tilespmem:s24], [sflag:$0x1], $0x80, v4, vm0, $0xb8;
	[tilespmem:$0x10080] =	vst v63  }
0x99: {  	_ = 	snop  }
0x9a: {  	[hbm4b:s4+s2] =	stream.indirect_vreg.scatter [tilespmem:s25], [sflag:$0x1], $0x80, v4, vm0, $0xb8;
	[tilespmem:$0x10080] =	vst v63  }
0x9b: {  	_ = 	snop  }
0x9c: {  	[hbm4b:s5+s2] =	stream.indirect_vreg.scatter [tilespmem:s12], [sflag:$0x1], $0x80, v4, vm0, $0xb8;
	[tilespmem:$0x10080] =	vst v63  }
0x9d: {  	s28 =	simm.s32 $0x9880  }
0x9e: {  	[hbm4b:s6+s2] =	stream.indirect_vreg.scatter [tilespmem:s28], [sflag:$0x1], $0x80, v4, vm0, $0xb8;
	[tilespmem:$0x10080] =	vst v63  }
0x9f: {  	s1 =	simm.s32 $0xA080  }
0xa0: {  	[hbm4b:s7+s2] =	stream.indirect_vreg.scatter [tilespmem:s1], [sflag:$0x1], $0x80, v4, vm0, $0xb8;
	[tilespmem:$0x10080] =	vst v63  }
0xa1: {  	v3 =	vperm.xlane v3, v2;
	s28 =	simm.s32 $0xA880  }
0xa2: {  	[hbm4b:s8+s2] =	stream.indirect_vreg.scatter [tilespmem:s28], [sflag:$0x1], $0x80, v4, vm0, $0xb8;
	[tilespmem:$0x10080] =	vst v63  }
0xa3: {  	v3 =	vadd.s32 v1, v3;
	s1 =	simm.s32 $0xB080  }
0xa4: {  	[hbm4b:s9+s2] =	stream.indirect_vreg.scatter [tilespmem:s1], [sflag:$0x1], $0x80, v4, vm0, $0xb8;
	[tilespmem:$0x10080] =	vst v63  }
0xa5: {  	s28 =	simm.s32 $0xB880  }
0xa6: {  	[hbm4b:s10+s2] =	stream.indirect_vreg.scatter [tilespmem:s28], [sflag:$0x1], $0x80, v4, vm0, $0xb8;
	[tilespmem:$0x10080] =	vst v63  }
0xa7: {  	s1 =	simm.s32 $0xC080  }
0xa8: {  	[hbm4b:s3+s2] =	stream.indirect_vreg.scatter [tilespmem:s1], [sflag:$0x1], $0x80, v3, vm0, $0xb8;
	[tilespmem:$0x10080] =	vst v63  }
0xa9: {  	s28 =	simm.s32 $0xC880  }
0xaa: {  	[hbm4b:s4+s2] =	stream.indirect_vreg.scatter [tilespmem:s28], [sflag:$0x1], $0x80, v3, vm0, $0xb8;
	[tilespmem:$0x10080] =	vst v63  }
0xab: {  	s1 =	simm.s32 $0xD080  }
0xac: {  	[hbm4b:s5+s2] =	stream.indirect_vreg.scatter [tilespmem:s1], [sflag:$0x1], $0x80, v3, vm0, $0xb8;
	[tilespmem:$0x10080] =	vst v63  }
0xad: {  	s28 =	simm.s32 $0xD880  }
0xae: {  	[hbm4b:s6+s2] =	stream.indirect_vreg.scatter [tilespmem:s28], [sflag:$0x1], $0x80, v3, vm0, $0xb8;
	[tilespmem:$0x10080] =	vst v63  }
0xaf: {  	s1 =	simm.s32 $0xE080  }
0xb0: {  	[hbm4b:s7+s2] =	stream.indirect_vreg.scatter [tilespmem:s1], [sflag:$0x1], $0x80, v3, vm0, $0xb8;
	[tilespmem:$0x10080] =	vst v63  }
0xb1: {  	s28 =	simm.s32 $0xE880  }
0xb2: {  	[hbm4b:s8+s2] =	stream.indirect_vreg.scatter [tilespmem:s28], [sflag:$0x1], $0x80, v3, vm0, $0xb8;
	[tilespmem:$0x10080] =	vst v63  }
0xb3: {  	p0 =	sne.s32 s11, $0x1;
	s1 =	simm.s32 $0xF080  }
0xb4: {  	[hbm4b:s9+s2] =	stream.indirect_vreg.scatter [tilespmem:s1], [sflag:$0x1], $0x80, v3, vm0, $0xb8;
	[tilespmem:$0x10080] =	vst v63  }
.Ltmp0:
0xb5: {  	s28 =	simm.s32 $0xF880;
	(pc) =	sbr.rel @p0 .LBB2_1-.Ltmp0, $4  }
0xb6: {  	[hbm4b:s10+s2] =	stream.indirect_vreg.scatter [tilespmem:s28], [sflag:$0x1], $0x80, v3, vm0, $0xb8;
	[tilespmem:$0x10080] =	vst v63  }
0xb7: {  	_ =	swait.ge [sflag:s26], $0x10000  }
0xb8: {  	[sflag:s26] =	ssyncset.done $0x0  }
0xb9: {  	s11 =	sadd.s32 $0xFFFFFFFF, s11;
	[sflag:s26] =	ssyncadd.s32 $0xFFFF0000  }
0xba: {  	_ =	sfence.sel $0x180000  }
0xbb: {  	[bflag:$0x0] =	sbarrier.arrive $0xFFFF  }
0xbc: {  	_ =	strace $0x90000047  }
0xbd: {  	s0 =	stileid.u32;
	[bflag:$0x2] =	sbarrier.arrive $0xFFFF  }
0xbe: {  	p0 =	sne.s32 s0, $0x0;
	s0 =	rddreg [dreg:$0x2]  }
0xbf: {  	s0 =	sadd.s32 @!p0 $0x100000, s0  }
0xc0: {  	[sflag:s0] =	ssyncadd.tile.s32 @!p0 $0x1;
	_ =	shalt  }
.Lfunc_end2:
_tile_overlayer_lowered:
.L_overlay_start_2:
0xc1: {  	(tag) =	ssettag $0x2  }
0xc2: {  	s0 =	rddreg [dreg:$0x0];
	s2 =	stileid.u32  }
0xc3: {  	s1 =	rddreg [dreg:$0x1];
	p0 =	sne.s32 s2, $0x0  }
0xc4: {  	s3 =	rddreg [dreg:$0x2];
	[bflag:$0x3] =	sbarrier.arrive $0xFFFF;
	s2 =	simm.s32 @!p0 $0x1C02  }
0xc5: {  	[timem:s3], [sflag:s2] =	dma.local @!p0 [hbm:s0], s1  }
0xc6: {  	s0 =	simm.s32 @!p0 $0x2  }
0xc7: {  	_ =	swait.ge @!p0 [sflag:s0], s1  }
0xc8: {  	s1 =	ssub.s32 @!p0 $0x0, s1;
	[sflag:s0] =	ssyncset.done @!p0 $0x0  }
0xc9: {  	[sflag:s0] =	ssyncadd.s32 @!p0 s1  }
0xca: {  	[bflag:$0x3] =	sbarrier.arrive $0xFFFF  }
0xcb: {  	_ =	shalt  }

</sc_bundles>
